<compile_context>
chip_gen: v7x
topology: tpu7x:2x2x1
jax: 0.10.2.dev20260603
libtpu: 0.0.44.dev20260713+nightly
codegen_flags: <defaults>
</compile_context>

<pallas_src>
import functools

import jax
import jax.numpy as jnp
from jax import lax
from jax.experimental import pallas as pl
from jax.experimental.pallas import tpu as pltpu
from jax.experimental.pallas import tpu_sc as plsc

VOCAB = 100000
D = 128
NTOT = 4096 * 200
NC, NS = 2, 16
NW = NC * NS
PER_W = NTOT // NW
CHUNK = 128
NCHUNK = PER_W // CHUNK
NBUF = 5

_mesh = plsc.VectorSubcoreMesh(
    core_axis_name="c", subcore_axis_name="s", num_cores=NC, num_subcores=NS
)


@functools.partial(
    pl.kernel,
    mesh=_mesh,
    out_type=jax.ShapeDtypeStruct((NTOT, D), jnp.float32),
    scratch_types=[
        pltpu.VMEM((NCHUNK, CHUNK), jnp.int32),
        pltpu.VMEM((NBUF, CHUNK, D), jnp.float32),
        pltpu.SemaphoreType.DMA((NBUF,)),
        pltpu.SemaphoreType.DMA((NBUF,)),
    ],
)
def _embed_sc(doc_hbm, w_hbm, out_hbm, idx_v, rows_v, gsem, ssem):
    wid = lax.axis_index("s") * NC + lax.axis_index("c")
    base = wid * NCHUNK
    pltpu.sync_copy(doc_hbm.at[pl.ds(base, NCHUNK)], idx_v)

    def fire_gather(g, b):
        pltpu.async_copy(w_hbm.at[idx_v.at[g]], rows_v.at[b], gsem.at[b])

    def fire_store(g, b):
        pltpu.async_copy(
            rows_v.at[b], out_hbm.at[pl.ds((base + g) * CHUNK, CHUNK)], ssem.at[b]
        )

    def wait_gather(g, b):
        pltpu.make_async_copy(w_hbm.at[idx_v.at[g]], rows_v.at[b],
                              gsem.at[b]).wait()

    def wait_store(g, b):
        pltpu.make_async_copy(
            rows_v.at[b], out_hbm.at[pl.ds((base + g) * CHUNK, CHUNK)],
            ssem.at[b],
        ).wait()

    for b in range(NBUF):
        fire_gather(b, b)

    @pl.loop(0, NCHUNK, step=NBUF)
    def _group(i):
        for b in range(NBUF):
            g = i + b
            wait_gather(g, b)
            fire_store(g, b)
            gp = g - 1
            bp = (b - 1) % NBUF

            @pl.when(jnp.logical_and(gp >= 0, gp < NCHUNK - NBUF))
            def _():
                wait_store(gp, bp)
                fire_gather(gp + NBUF, bp)

    for b in range(NBUF):
        wait_store(NCHUNK - NBUF + b, b)


def kernel(doc, W):
    idx = doc.reshape(NTOT // CHUNK, CHUNK).astype(jnp.int32)
    out = _embed_sc(idx, W)
    return out.reshape(doc.shape[0], doc.shape[1], D)

# --- scband reference (transcript-rebuilt; emitter-appended) ---
"""Pipeline reference for scband-embed-16260746182809 (READ-ONLY COPY).

The authoritative reference and input builder live on the scoring server;
editing this copy changes nothing except your own understanding.
"""

import jax, jax.numpy as jnp
import numpy as np

VOCAB = 100000
EMBED_DIM = 128
BATCH = 4096
HIST = 200

def setup_inputs(seed: int = 0) -> dict:
    key = jax.random.key(seed)
    k_idx, k_w = jax.random.split(key)
    doc = jax.random.randint(k_idx, (BATCH, HIST), 0, VOCAB, dtype=jnp.int64 if jax.config.jax_enable_x64 else jnp.int32)
    W = jax.random.normal(k_w, (VOCAB, EMBED_DIM), dtype=jnp.float32) * 0.02
    return {"doc": doc, "W": W}

def reference(doc, W):
    # nn.Embedding forward: gather rows of the embedding table
    out = jnp.take(W, doc, axis=0)  # [B, L, D]
    return out

if __name__ == "__main__":
    import jax
    _d = setup_inputs()
    print(jax.jit(kernel)(*tuple(_d.values())))

</pallas_src>

<mosaic_0001>
#map = affine_map<(d0, d1) -> (0, 0)>
module attributes {stable_mosaic.version = 14 : i64} {
  func.func @_embed_sc(%arg0: i32, %arg1: i32, %arg2: memref<6400x128xi32, #tpu.memory_space<hbm>>, %arg3: memref<100000x128xf32, #tpu.memory_space<hbm>>, %arg4: memref<819200x128xf32, #tpu.memory_space<hbm>>, %arg5: memref<200x128xi32, #tpu.memory_space<vmem>>, %arg6: memref<5x128x128xf32, #tpu.memory_space<vmem>>, %arg7: memref<5x!tpu.dma_semaphore, #tpu.memory_space<semaphore_mem>>, %arg8: memref<5x!tpu.dma_semaphore, #tpu.memory_space<semaphore_mem>>) attributes {dimension_semantics = [#tpu.dimension_semantics<core_parallel>, #tpu.dimension_semantics<subcore_parallel>], iteration_bounds = array<i64: 2, 16>, scalar_prefetch = 0 : i64, scratch_operands = 4 : i64, tpu.core_type = #tpu.core_type<sc_vector_subcore>, window_params = [{transform_indices = #map}, {transform_indices = #map}, {transform_indices = #map}]} {
    %mul3A = arith.constant 2 : i32
    %mul3A_0 = arith.muli %arg1, %mul3A : i32
    %add3A = arith.addi %mul3A_0, %arg0 : i32
    %mul3A_1 = arith.constant 200 : i32
    %mul3A_2 = arith.muli %add3A, %mul3A_1 : i32
    "tpu.region"() ({
      %run_scoped3A = tpu.sem_alloc : memref<!tpu.dma_semaphore, #tpu.memory_space<semaphore_mem>>
      %dma_start3A_180 = arith.constant 0 : i32
      %dma_start3A_181 = tpu.memref_slice %arg2[%mul3A_2, %dma_start3A_180] : memref<6400x128xi32, #tpu.memory_space<hbm>> -> memref<200x128xi32, #tpu.memory_space<hbm>>
      %dma_start3A_182 = arith.constant 0 : i32
      %dma_start3A_183 = tpu.memref_slice %arg2[%mul3A_2, %dma_start3A_182] : memref<6400x128xi32, #tpu.memory_space<hbm>> -> memref<200x128xi32, #tpu.memory_space<hbm>>
      tpu.enqueue_dma source(%dma_start3A_183 : memref<200x128xi32, #tpu.memory_space<hbm>>) target(%arg5 : memref<200x128xi32, #tpu.memory_space<vmem>>) target_semaphore(%run_scoped3A : memref<!tpu.dma_semaphore, #tpu.memory_space<semaphore_mem>>)
      %dma_wait3A_184 = arith.constant 0 : i32
      %dma_wait3A_185 = tpu.memref_slice %arg2[%mul3A_2, %dma_wait3A_184] : memref<6400x128xi32, #tpu.memory_space<hbm>> -> memref<200x128xi32, #tpu.memory_space<hbm>>
      %dma_wait3A_186 = arith.constant 0 : i32
      %dma_wait3A_187 = tpu.memref_slice %arg2[%mul3A_2, %dma_wait3A_186] : memref<6400x128xi32, #tpu.memory_space<hbm>> -> memref<200x128xi32, #tpu.memory_space<hbm>>
      tpu.wait_dma2 semaphore(%run_scoped3A : memref<!tpu.dma_semaphore, #tpu.memory_space<semaphore_mem>>) src(%dma_wait3A_187 : memref<200x128xi32, #tpu.memory_space<hbm>>) dst(%arg5 : memref<200x128xi32, #tpu.memory_space<vmem>>)
      tpu.yield
    }) : () -> ()
    %dma_start3A = arith.constant 0 : i32
    %dma_start3A_3 = arith.constant 0 : i32
    %dma_start3A_4 = arith.constant 0 : i32
    %dma_start3A_5 = arith.constant 0 : i32
    %dma_start3A_6 = arith.constant 0 : i32
    %dma_start3A_7 = tpu.memref_slice %arg6[%dma_start3A_3, %dma_start3A_5, %dma_start3A_6] : memref<5x128x128xf32, #tpu.memory_space<vmem>> -> memref<1x128x128xf32, #tpu.memory_space<vmem>>
    %dma_start3A_8 = tpu.memref_squeeze %dma_start3A_7 : memref<1x128x128xf32, #tpu.memory_space<vmem>> -> memref<128x128xf32, #tpu.memory_space<vmem>>
    %dma_start3A_9 = arith.constant 0 : i32
    %dma_start3A_10 = tpu.memref_slice %arg5[%dma_start3A, %dma_start3A_9] : memref<200x128xi32, #tpu.memory_space<vmem>> -> memref<1x128xi32, #tpu.memory_space<vmem>>
    %dma_start3A_11 = tpu.memref_squeeze %dma_start3A_10 : memref<1x128xi32, #tpu.memory_space<vmem>> -> memref<128xi32, #tpu.memory_space<vmem>>
    %dma_start3A_12 = arith.constant 0 : i32
    %dma_start3A_13 = arith.constant 0 : i32
    %dma_start3A_14 = tpu.memref_slice %arg3[%dma_start3A_12, %dma_start3A_13] : memref<100000x128xf32, #tpu.memory_space<hbm>> -> memref<100000x128xf32, #tpu.memory_space<hbm>>
    %dma_start3A_15 = tpu.memref_slice %arg7[%dma_start3A_4] : memref<5x!tpu.dma_semaphore, #tpu.memory_space<semaphore_mem>> -> memref<1x!tpu.dma_semaphore, #tpu.memory_space<semaphore_mem>>
    %dma_start3A_16 = tpu.memref_squeeze %dma_start3A_15 : memref<1x!tpu.dma_semaphore, #tpu.memory_space<semaphore_mem>> -> memref<!tpu.dma_semaphore, #tpu.memory_space<semaphore_mem>>
    tpu.enqueue_indirect_dma source(%dma_start3A_14 : memref<100000x128xf32, #tpu.memory_space<hbm>>) target(%dma_start3A_8 : memref<128x128xf32, #tpu.memory_space<vmem>>) offsets(%dma_start3A_11 : memref<128xi32, #tpu.memory_space<vmem>>) semaphore(%dma_start3A_16 : memref<!tpu.dma_semaphore, #tpu.memory_space<semaphore_mem>>)
    %dma_start3A_17 = arith.constant 1 : i32
    %dma_start3A_18 = arith.constant 1 : i32
    %dma_start3A_19 = arith.constant 1 : i32
    %dma_start3A_20 = arith.constant 0 : i32
    %dma_start3A_21 = arith.constant 0 : i32
    %dma_start3A_22 = tpu.memref_slice %arg6[%dma_start3A_18, %dma_start3A_20, %dma_start3A_21] : memref<5x128x128xf32, #tpu.memory_space<vmem>> -> memref<1x128x128xf32, #tpu.memory_space<vmem>>
    %dma_start3A_23 = tpu.memref_squeeze %dma_start3A_22 : memref<1x128x128xf32, #tpu.memory_space<vmem>> -> memref<128x128xf32, #tpu.memory_space<vmem>>
    %dma_start3A_24 = arith.constant 0 : i32
    %dma_start3A_25 = tpu.memref_slice %arg5[%dma_start3A_17, %dma_start3A_24] : memref<200x128xi32, #tpu.memory_space<vmem>> -> memref<1x128xi32, #tpu.memory_space<vmem>>
    %dma_start3A_26 = tpu.memref_squeeze %dma_start3A_25 : memref<1x128xi32, #tpu.memory_space<vmem>> -> memref<128xi32, #tpu.memory_space<vmem>>
    %dma_start3A_27 = arith.constant 0 : i32
    %dma_start3A_28 = arith.constant 0 : i32
    %dma_start3A_29 = tpu.memref_slice %arg3[%dma_start3A_27, %dma_start3A_28] : memref<100000x128xf32, #tpu.memory_space<hbm>> -> memref<100000x128xf32, #tpu.memory_space<hbm>>
    %dma_start3A_30 = tpu.memref_slice %arg7[%dma_start3A_19] : memref<5x!tpu.dma_semaphore, #tpu.memory_space<semaphore_mem>> -> memref<1x!tpu.dma_semaphore, #tpu.memory_space<semaphore_mem>>
    %dma_start3A_31 = tpu.memref_squeeze %dma_start3A_30 : memref<1x!tpu.dma_semaphore, #tpu.memory_space<semaphore_mem>> -> memref<!tpu.dma_semaphore, #tpu.memory_space<semaphore_mem>>
    tpu.enqueue_indirect_dma source(%dma_start3A_29 : memref<100000x128xf32, #tpu.memory_space<hbm>>) target(%dma_start3A_23 : memref<128x128xf32, #tpu.memory_space<vmem>>) offsets(%dma_start3A_26 : memref<128xi32, #tpu.memory_space<vmem>>) semaphore(%dma_start3A_31 : memref<!tpu.dma_semaphore, #tpu.memory_space<semaphore_mem>>)
    %dma_start3A_32 = arith.constant 2 : i32
    %dma_start3A_33 = arith.constant 2 : i32
    %dma_start3A_34 = arith.constant 2 : i32
    %dma_start3A_35 = arith.constant 0 : i32
    %dma_start3A_36 = arith.constant 0 : i32
    %dma_start3A_37 = tpu.memref_slice %arg6[%dma_start3A_33, %dma_start3A_35, %dma_start3A_36] : memref<5x128x128xf32, #tpu.memory_space<vmem>> -> memref<1x128x128xf32, #tpu.memory_space<vmem>>
    %dma_start3A_38 = tpu.memref_squeeze %dma_start3A_37 : memref<1x128x128xf32, #tpu.memory_space<vmem>> -> memref<128x128xf32, #tpu.memory_space<vmem>>
    %dma_start3A_39 = arith.constant 0 : i32
    %dma_start3A_40 = tpu.memref_slice %arg5[%dma_start3A_32, %dma_start3A_39] : memref<200x128xi32, #tpu.memory_space<vmem>> -> memref<1x128xi32, #tpu.memory_space<vmem>>
    %dma_start3A_41 = tpu.memref_squeeze %dma_start3A_40 : memref<1x128xi32, #tpu.memory_space<vmem>> -> memref<128xi32, #tpu.memory_space<vmem>>
    %dma_start3A_42 = arith.constant 0 : i32
    %dma_start3A_43 = arith.constant 0 : i32
    %dma_start3A_44 = tpu.memref_slice %arg3[%dma_start3A_42, %dma_start3A_43] : memref<100000x128xf32, #tpu.memory_space<hbm>> -> memref<100000x128xf32, #tpu.memory_space<hbm>>
    %dma_start3A_45 = tpu.memref_slice %arg7[%dma_start3A_34] : memref<5x!tpu.dma_semaphore, #tpu.memory_space<semaphore_mem>> -> memref<1x!tpu.dma_semaphore, #tpu.memory_space<semaphore_mem>>
    %dma_start3A_46 = tpu.memref_squeeze %dma_start3A_45 : memref<1x!tpu.dma_semaphore, #tpu.memory_space<semaphore_mem>> -> memref<!tpu.dma_semaphore, #tpu.memory_space<semaphore_mem>>
    tpu.enqueue_indirect_dma source(%dma_start3A_44 : memref<100000x128xf32, #tpu.memory_space<hbm>>) target(%dma_start3A_38 : memref<128x128xf32, #tpu.memory_space<vmem>>) offsets(%dma_start3A_41 : memref<128xi32, #tpu.memory_space<vmem>>) semaphore(%dma_start3A_46 : memref<!tpu.dma_semaphore, #tpu.memory_space<semaphore_mem>>)
    %dma_start3A_47 = arith.constant 3 : i32
    %dma_start3A_48 = arith.constant 3 : i32
    %dma_start3A_49 = arith.constant 3 : i32
    %dma_start3A_50 = arith.constant 0 : i32
    %dma_start3A_51 = arith.constant 0 : i32
    %dma_start3A_52 = tpu.memref_slice %arg6[%dma_start3A_48, %dma_start3A_50, %dma_start3A_51] : memref<5x128x128xf32, #tpu.memory_space<vmem>> -> memref<1x128x128xf32, #tpu.memory_space<vmem>>
    %dma_start3A_53 = tpu.memref_squeeze %dma_start3A_52 : memref<1x128x128xf32, #tpu.memory_space<vmem>> -> memref<128x128xf32, #tpu.memory_space<vmem>>
    %dma_start3A_54 = arith.constant 0 : i32
    %dma_start3A_55 = tpu.memref_slice %arg5[%dma_start3A_47, %dma_start3A_54] : memref<200x128xi32, #tpu.memory_space<vmem>> -> memref<1x128xi32, #tpu.memory_space<vmem>>
    %dma_start3A_56 = tpu.memref_squeeze %dma_start3A_55 : memref<1x128xi32, #tpu.memory_space<vmem>> -> memref<128xi32, #tpu.memory_space<vmem>>
    %dma_start3A_57 = arith.constant 0 : i32
    %dma_start3A_58 = arith.constant 0 : i32
    %dma_start3A_59 = tpu.memref_slice %arg3[%dma_start3A_57, %dma_start3A_58] : memref<100000x128xf32, #tpu.memory_space<hbm>> -> memref<100000x128xf32, #tpu.memory_space<hbm>>
    %dma_start3A_60 = tpu.memref_slice %arg7[%dma_start3A_49] : memref<5x!tpu.dma_semaphore, #tpu.memory_space<semaphore_mem>> -> memref<1x!tpu.dma_semaphore, #tpu.memory_space<semaphore_mem>>
    %dma_start3A_61 = tpu.memref_squeeze %dma_start3A_60 : memref<1x!tpu.dma_semaphore, #tpu.memory_space<semaphore_mem>> -> memref<!tpu.dma_semaphore, #tpu.memory_space<semaphore_mem>>
    tpu.enqueue_indirect_dma source(%dma_start3A_59 : memref<100000x128xf32, #tpu.memory_space<hbm>>) target(%dma_start3A_53 : memref<128x128xf32, #tpu.memory_space<vmem>>) offsets(%dma_start3A_56 : memref<128xi32, #tpu.memory_space<vmem>>) semaphore(%dma_start3A_61 : memref<!tpu.dma_semaphore, #tpu.memory_space<semaphore_mem>>)
    %dma_start3A_62 = arith.constant 4 : i32
    %dma_start3A_63 = arith.constant 4 : i32
    %dma_start3A_64 = arith.constant 4 : i32
    %dma_start3A_65 = arith.constant 0 : i32
    %dma_start3A_66 = arith.constant 0 : i32
    %dma_start3A_67 = tpu.memref_slice %arg6[%dma_start3A_63, %dma_start3A_65, %dma_start3A_66] : memref<5x128x128xf32, #tpu.memory_space<vmem>> -> memref<1x128x128xf32, #tpu.memory_space<vmem>>
    %dma_start3A_68 = tpu.memref_squeeze %dma_start3A_67 : memref<1x128x128xf32, #tpu.memory_space<vmem>> -> memref<128x128xf32, #tpu.memory_space<vmem>>
    %dma_start3A_69 = arith.constant 0 : i32
    %dma_start3A_70 = tpu.memref_slice %arg5[%dma_start3A_62, %dma_start3A_69] : memref<200x128xi32, #tpu.memory_space<vmem>> -> memref<1x128xi32, #tpu.memory_space<vmem>>
    %dma_start3A_71 = tpu.memref_squeeze %dma_start3A_70 : memref<1x128xi32, #tpu.memory_space<vmem>> -> memref<128xi32, #tpu.memory_space<vmem>>
    %dma_start3A_72 = arith.constant 0 : i32
    %dma_start3A_73 = arith.constant 0 : i32
    %dma_start3A_74 = tpu.memref_slice %arg3[%dma_start3A_72, %dma_start3A_73] : memref<100000x128xf32, #tpu.memory_space<hbm>> -> memref<100000x128xf32, #tpu.memory_space<hbm>>
    %dma_start3A_75 = tpu.memref_slice %arg7[%dma_start3A_64] : memref<5x!tpu.dma_semaphore, #tpu.memory_space<semaphore_mem>> -> memref<1x!tpu.dma_semaphore, #tpu.memory_space<semaphore_mem>>
    %dma_start3A_76 = tpu.memref_squeeze %dma_start3A_75 : memref<1x!tpu.dma_semaphore, #tpu.memory_space<semaphore_mem>> -> memref<!tpu.dma_semaphore, #tpu.memory_space<semaphore_mem>>
    tpu.enqueue_indirect_dma source(%dma_start3A_74 : memref<100000x128xf32, #tpu.memory_space<hbm>>) target(%dma_start3A_68 : memref<128x128xf32, #tpu.memory_space<vmem>>) offsets(%dma_start3A_71 : memref<128xi32, #tpu.memory_space<vmem>>) semaphore(%dma_start3A_76 : memref<!tpu.dma_semaphore, #tpu.memory_space<semaphore_mem>>)
    %scan3A = arith.constant 0 : i32
    %scan3A_77 = arith.constant 40 : i32
    %scan3A_78 = arith.addi %scan3A, %scan3A_77 : i32
    %scan3A_79 = arith.constant 1 : i32
    scf.for %scan3A_180 = %scan3A to %scan3A_78 step %scan3A_79  : i32 {
      %mul3A_181 = arith.constant 5 : i32
      %mul3A_182 = arith.muli %scan3A_180, %mul3A_181 : i32
      %add3A_183 = arith.constant 0 : i32
      %add3A_184 = arith.addi %add3A_183, %mul3A_182 : i32
      %add3A_185 = arith.constant 0 : i32
      %add3A_186 = arith.addi %add3A_184, %add3A_185 : i32
      %dma_wait3A_187 = arith.constant 0 : i32
      %dma_wait3A_188 = arith.constant 0 : i32
      %dma_wait3A_189 = arith.constant 0 : i32
      %dma_wait3A_190 = arith.constant 0 : i32
      %dma_wait3A_191 = tpu.memref_slice %arg6[%dma_wait3A_187, %dma_wait3A_189, %dma_wait3A_190] : memref<5x128x128xf32, #tpu.memory_space<vmem>> -> memref<1x128x128xf32, #tpu.memory_space<vmem>>
      %dma_wait3A_192 = tpu.memref_squeeze %dma_wait3A_191 : memref<1x128x128xf32, #tpu.memory_space<vmem>> -> memref<128x128xf32, #tpu.memory_space<vmem>>
      %dma_wait3A_193 = arith.constant 0 : i32
      %dma_wait3A_194 = tpu.memref_slice %arg5[%add3A_186, %dma_wait3A_193] : memref<200x128xi32, #tpu.memory_space<vmem>> -> memref<1x128xi32, #tpu.memory_space<vmem>>
      %dma_wait3A_195 = tpu.memref_squeeze %dma_wait3A_194 : memref<1x128xi32, #tpu.memory_space<vmem>> -> memref<128xi32, #tpu.memory_space<vmem>>
      %dma_wait3A_196 = arith.constant 0 : i32
      %dma_wait3A_197 = arith.constant 0 : i32
      %dma_wait3A_198 = tpu.memref_slice %arg3[%dma_wait3A_196, %dma_wait3A_197] : memref<100000x128xf32, #tpu.memory_space<hbm>> -> memref<100000x128xf32, #tpu.memory_space<hbm>>
      %dma_wait3A_199 = tpu.memref_slice %arg7[%dma_wait3A_188] : memref<5x!tpu.dma_semaphore, #tpu.memory_space<semaphore_mem>> -> memref<1x!tpu.dma_semaphore, #tpu.memory_space<semaphore_mem>>
      %dma_wait3A_200 = tpu.memref_squeeze %dma_wait3A_199 : memref<1x!tpu.dma_semaphore, #tpu.memory_space<semaphore_mem>> -> memref<!tpu.dma_semaphore, #tpu.memory_space<semaphore_mem>>
      tpu.wait_indirect_dma semaphore(%dma_wait3A_200 : memref<!tpu.dma_semaphore, #tpu.memory_space<semaphore_mem>>) src(%dma_wait3A_198 : memref<100000x128xf32, #tpu.memory_space<hbm>>) dst(%dma_wait3A_192 : memref<128x128xf32, #tpu.memory_space<vmem>>)
      %add3A_201 = arith.addi %mul3A_2, %add3A_186 : i32
      %mul3A_202 = arith.constant 128 : i32
      %mul3A_203 = arith.muli %add3A_201, %mul3A_202 : i32
      %dma_start3A_204 = arith.constant 0 : i32
      %dma_start3A_205 = arith.constant 0 : i32
      %dma_start3A_206 = arith.constant 0 : i32
      %dma_start3A_207 = arith.constant 0 : i32
      %dma_start3A_208 = tpu.memref_slice %arg6[%dma_start3A_204, %dma_start3A_206, %dma_start3A_207] : memref<5x128x128xf32, #tpu.memory_space<vmem>> -> memref<1x128x128xf32, #tpu.memory_space<vmem>>
      %dma_start3A_209 = tpu.memref_squeeze %dma_start3A_208 : memref<1x128x128xf32, #tpu.memory_space<vmem>> -> memref<128x128xf32, #tpu.memory_space<vmem>>
      %dma_start3A_210 = arith.constant 0 : i32
      %dma_start3A_211 = tpu.memref_slice %arg4[%mul3A_203, %dma_start3A_210] : memref<819200x128xf32, #tpu.memory_space<hbm>> -> memref<128x128xf32, #tpu.memory_space<hbm>>
      %dma_start3A_212 = tpu.memref_slice %arg8[%dma_start3A_205] : memref<5x!tpu.dma_semaphore, #tpu.memory_space<semaphore_mem>> -> memref<1x!tpu.dma_semaphore, #tpu.memory_space<semaphore_mem>>
      %dma_start3A_213 = tpu.memref_squeeze %dma_start3A_212 : memref<1x!tpu.dma_semaphore, #tpu.memory_space<semaphore_mem>> -> memref<!tpu.dma_semaphore, #tpu.memory_space<semaphore_mem>>
      %dma_start3A_214 = arith.constant 0 : i32
      %dma_start3A_215 = tpu.memref_slice %arg4[%mul3A_203, %dma_start3A_214] : memref<819200x128xf32, #tpu.memory_space<hbm>> -> memref<128x128xf32, #tpu.memory_space<hbm>>
      %dma_start3A_216 = arith.constant 0 : i32
      %dma_start3A_217 = arith.constant 0 : i32
      %dma_start3A_218 = tpu.memref_slice %arg6[%dma_start3A_204, %dma_start3A_216, %dma_start3A_217] : memref<5x128x128xf32, #tpu.memory_space<vmem>> -> memref<1x128x128xf32, #tpu.memory_space<vmem>>
      %dma_start3A_219 = tpu.memref_squeeze %dma_start3A_218 : memref<1x128x128xf32, #tpu.memory_space<vmem>> -> memref<128x128xf32, #tpu.memory_space<vmem>>
      tpu.enqueue_dma source(%dma_start3A_219 : memref<128x128xf32, #tpu.memory_space<vmem>>) target(%dma_start3A_215 : memref<128x128xf32, #tpu.memory_space<hbm>>) target_semaphore(%dma_start3A_213 : memref<!tpu.dma_semaphore, #tpu.memory_space<semaphore_mem>>)
      %sub3A = arith.constant 1 : i32
      %sub3A_220 = arith.subi %add3A_186, %sub3A : i32
      %ge3A = arith.constant 0 : i32
      %ge3A_221 = arith.cmpi sge, %sub3A_220, %ge3A : i32
      %lt3A = arith.constant 195 : i32
      %lt3A_222 = arith.cmpi slt, %sub3A_220, %lt3A : i32
      %and3A = arith.andi %ge3A_221, %lt3A_222 : i1
      %convert_element_type3A = arith.extui %and3A : i1 to i32
      %cond3A = arith.constant 0 : i32
      %cond3A_223 = arith.cmpi ne, %convert_element_type3A, %cond3A : i32
      scf.if %cond3A_223 {
        %add3A_404 = arith.addi %mul3A_2, %sub3A_220 : i32
        %mul3A_405 = arith.constant 128 : i32
        %mul3A_406 = arith.muli %add3A_404, %mul3A_405 : i32
        %dma_wait3A_407 = arith.constant 4 : i32
        %dma_wait3A_408 = arith.constant 4 : i32
        %dma_wait3A_409 = arith.constant 0 : i32
        %dma_wait3A_410 = arith.constant 0 : i32
        %dma_wait3A_411 = tpu.memref_slice %arg6[%dma_wait3A_407, %dma_wait3A_409, %dma_wait3A_410] : memref<5x128x128xf32, #tpu.memory_space<vmem>> -> memref<1x128x128xf32, #tpu.memory_space<vmem>>
        %dma_wait3A_412 = tpu.memref_squeeze %dma_wait3A_411 : memref<1x128x128xf32, #tpu.memory_space<vmem>> -> memref<128x128xf32, #tpu.memory_space<vmem>>
        %dma_wait3A_413 = arith.constant 0 : i32
        %dma_wait3A_414 = tpu.memref_slice %arg4[%mul3A_406, %dma_wait3A_413] : memref<819200x128xf32, #tpu.memory_space<hbm>> -> memref<128x128xf32, #tpu.memory_space<hbm>>
        %dma_wait3A_415 = tpu.memref_slice %arg8[%dma_wait3A_408] : memref<5x!tpu.dma_semaphore, #tpu.memory_space<semaphore_mem>> -> memref<1x!tpu.dma_semaphore, #tpu.memory_space<semaphore_mem>>
        %dma_wait3A_416 = tpu.memref_squeeze %dma_wait3A_415 : memref<1x!tpu.dma_semaphore, #tpu.memory_space<semaphore_mem>> -> memref<!tpu.dma_semaphore, #tpu.memory_space<semaphore_mem>>
        %dma_wait3A_417 = arith.constant 0 : i32
        %dma_wait3A_418 = tpu.memref_slice %arg4[%mul3A_406, %dma_wait3A_417] : memref<819200x128xf32, #tpu.memory_space<hbm>> -> memref<128x128xf32, #tpu.memory_space<hbm>>
        %dma_wait3A_419 = arith.constant 0 : i32
        %dma_wait3A_420 = arith.constant 0 : i32
        %dma_wait3A_421 = tpu.memref_slice %arg6[%dma_wait3A_407, %dma_wait3A_419, %dma_wait3A_420] : memref<5x128x128xf32, #tpu.memory_space<vmem>> -> memref<1x128x128xf32, #tpu.memory_space<vmem>>
        %dma_wait3A_422 = tpu.memref_squeeze %dma_wait3A_421 : memref<1x128x128xf32, #tpu.memory_space<vmem>> -> memref<128x128xf32, #tpu.memory_space<vmem>>
        tpu.wait_dma2 semaphore(%dma_wait3A_416 : memref<!tpu.dma_semaphore, #tpu.memory_space<semaphore_mem>>) src(%dma_wait3A_422 : memref<128x128xf32, #tpu.memory_space<vmem>>) dst(%dma_wait3A_418 : memref<128x128xf32, #tpu.memory_space<hbm>>)
        %add3A_423 = arith.constant 5 : i32
        %add3A_424 = arith.addi %sub3A_220, %add3A_423 : i32
        %dma_start3A_425 = arith.constant 4 : i32
        %dma_start3A_426 = arith.constant 4 : i32
        %dma_start3A_427 = arith.constant 0 : i32
        %dma_start3A_428 = arith.constant 0 : i32
        %dma_start3A_429 = tpu.memref_slice %arg6[%dma_start3A_425, %dma_start3A_427, %dma_start3A_428] : memref<5x128x128xf32, #tpu.memory_space<vmem>> -> memref<1x128x128xf32, #tpu.memory_space<vmem>>
        %dma_start3A_430 = tpu.memref_squeeze %dma_start3A_429 : memref<1x128x128xf32, #tpu.memory_space<vmem>> -> memref<128x128xf32, #tpu.memory_space<vmem>>
        %dma_start3A_431 = arith.constant 0 : i32
        %dma_start3A_432 = tpu.memref_slice %arg5[%add3A_424, %dma_start3A_431] : memref<200x128xi32, #tpu.memory_space<vmem>> -> memref<1x128xi32, #tpu.memory_space<vmem>>
        %dma_start3A_433 = tpu.memref_squeeze %dma_start3A_432 : memref<1x128xi32, #tpu.memory_space<vmem>> -> memref<128xi32, #tpu.memory_space<vmem>>
        %dma_start3A_434 = arith.constant 0 : i32
        %dma_start3A_435 = arith.constant 0 : i32
        %dma_start3A_436 = tpu.memref_slice %arg3[%dma_start3A_434, %dma_start3A_435] : memref<100000x128xf32, #tpu.memory_space<hbm>> -> memref<100000x128xf32, #tpu.memory_space<hbm>>
        %dma_start3A_437 = tpu.memref_slice %arg7[%dma_start3A_426] : memref<5x!tpu.dma_semaphore, #tpu.memory_space<semaphore_mem>> -> memref<1x!tpu.dma_semaphore, #tpu.memory_space<semaphore_mem>>
        %dma_start3A_438 = tpu.memref_squeeze %dma_start3A_437 : memref<1x!tpu.dma_semaphore, #tpu.memory_space<semaphore_mem>> -> memref<!tpu.dma_semaphore, #tpu.memory_space<semaphore_mem>>
        tpu.enqueue_indirect_dma source(%dma_start3A_436 : memref<100000x128xf32, #tpu.memory_space<hbm>>) target(%dma_start3A_430 : memref<128x128xf32, #tpu.memory_space<vmem>>) offsets(%dma_start3A_433 : memref<128xi32, #tpu.memory_space<vmem>>) semaphore(%dma_start3A_438 : memref<!tpu.dma_semaphore, #tpu.memory_space<semaphore_mem>>)
      } else {
      }
      %add3A_224 = arith.constant 1 : i32
      %add3A_225 = arith.addi %add3A_184, %add3A_224 : i32
      %dma_wait3A_226 = arith.constant 1 : i32
      %dma_wait3A_227 = arith.constant 1 : i32
      %dma_wait3A_228 = arith.constant 0 : i32
      %dma_wait3A_229 = arith.constant 0 : i32
      %dma_wait3A_230 = tpu.memref_slice %arg6[%dma_wait3A_226, %dma_wait3A_228, %dma_wait3A_229] : memref<5x128x128xf32, #tpu.memory_space<vmem>> -> memref<1x128x128xf32, #tpu.memory_space<vmem>>
      %dma_wait3A_231 = tpu.memref_squeeze %dma_wait3A_230 : memref<1x128x128xf32, #tpu.memory_space<vmem>> -> memref<128x128xf32, #tpu.memory_space<vmem>>
      %dma_wait3A_232 = arith.constant 0 : i32
      %dma_wait3A_233 = tpu.memref_slice %arg5[%add3A_225, %dma_wait3A_232] : memref<200x128xi32, #tpu.memory_space<vmem>> -> memref<1x128xi32, #tpu.memory_space<vmem>>
      %dma_wait3A_234 = tpu.memref_squeeze %dma_wait3A_233 : memref<1x128xi32, #tpu.memory_space<vmem>> -> memref<128xi32, #tpu.memory_space<vmem>>
      %dma_wait3A_235 = arith.constant 0 : i32
      %dma_wait3A_236 = arith.constant 0 : i32
      %dma_wait3A_237 = tpu.memref_slice %arg3[%dma_wait3A_235, %dma_wait3A_236] : memref<100000x128xf32, #tpu.memory_space<hbm>> -> memref<100000x128xf32, #tpu.memory_space<hbm>>
      %dma_wait3A_238 = tpu.memref_slice %arg7[%dma_wait3A_227] : memref<5x!tpu.dma_semaphore, #tpu.memory_space<semaphore_mem>> -> memref<1x!tpu.dma_semaphore, #tpu.memory_space<semaphore_mem>>
      %dma_wait3A_239 = tpu.memref_squeeze %dma_wait3A_238 : memref<1x!tpu.dma_semaphore, #tpu.memory_space<semaphore_mem>> -> memref<!tpu.dma_semaphore, #tpu.memory_space<semaphore_mem>>
      tpu.wait_indirect_dma semaphore(%dma_wait3A_239 : memref<!tpu.dma_semaphore, #tpu.memory_space<semaphore_mem>>) src(%dma_wait3A_237 : memref<100000x128xf32, #tpu.memory_space<hbm>>) dst(%dma_wait3A_231 : memref<128x128xf32, #tpu.memory_space<vmem>>)
      %add3A_240 = arith.addi %mul3A_2, %add3A_225 : i32
      %mul3A_241 = arith.constant 128 : i32
      %mul3A_242 = arith.muli %add3A_240, %mul3A_241 : i32
      %dma_start3A_243 = arith.constant 1 : i32
      %dma_start3A_244 = arith.constant 1 : i32
      %dma_start3A_245 = arith.constant 0 : i32
      %dma_start3A_246 = arith.constant 0 : i32
      %dma_start3A_247 = tpu.memref_slice %arg6[%dma_start3A_243, %dma_start3A_245, %dma_start3A_246] : memref<5x128x128xf32, #tpu.memory_space<vmem>> -> memref<1x128x128xf32, #tpu.memory_space<vmem>>
      %dma_start3A_248 = tpu.memref_squeeze %dma_start3A_247 : memref<1x128x128xf32, #tpu.memory_space<vmem>> -> memref<128x128xf32, #tpu.memory_space<vmem>>
      %dma_start3A_249 = arith.constant 0 : i32
      %dma_start3A_250 = tpu.memref_slice %arg4[%mul3A_242, %dma_start3A_249] : memref<819200x128xf32, #tpu.memory_space<hbm>> -> memref<128x128xf32, #tpu.memory_space<hbm>>
      %dma_start3A_251 = tpu.memref_slice %arg8[%dma_start3A_244] : memref<5x!tpu.dma_semaphore, #tpu.memory_space<semaphore_mem>> -> memref<1x!tpu.dma_semaphore, #tpu.memory_space<semaphore_mem>>
      %dma_start3A_252 = tpu.memref_squeeze %dma_start3A_251 : memref<1x!tpu.dma_semaphore, #tpu.memory_space<semaphore_mem>> -> memref<!tpu.dma_semaphore, #tpu.memory_space<semaphore_mem>>
      %dma_start3A_253 = arith.constant 0 : i32
      %dma_start3A_254 = tpu.memref_slice %arg4[%mul3A_242, %dma_start3A_253] : memref<819200x128xf32, #tpu.memory_space<hbm>> -> memref<128x128xf32, #tpu.memory_space<hbm>>
      %dma_start3A_255 = arith.constant 0 : i32
      %dma_start3A_256 = arith.constant 0 : i32
      %dma_start3A_257 = tpu.memref_slice %arg6[%dma_start3A_243, %dma_start3A_255, %dma_start3A_256] : memref<5x128x128xf32, #tpu.memory_space<vmem>> -> memref<1x128x128xf32, #tpu.memory_space<vmem>>
      %dma_start3A_258 = tpu.memref_squeeze %dma_start3A_257 : memref<1x128x128xf32, #tpu.memory_space<vmem>> -> memref<128x128xf32, #tpu.memory_space<vmem>>
      tpu.enqueue_dma source(%dma_start3A_258 : memref<128x128xf32, #tpu.memory_space<vmem>>) target(%dma_start3A_254 : memref<128x128xf32, #tpu.memory_space<hbm>>) target_semaphore(%dma_start3A_252 : memref<!tpu.dma_semaphore, #tpu.memory_space<semaphore_mem>>)
      %sub3A_259 = arith.constant 1 : i32
      %sub3A_260 = arith.subi %add3A_225, %sub3A_259 : i32
      %ge3A_261 = arith.constant 0 : i32
      %ge3A_262 = arith.cmpi sge, %sub3A_260, %ge3A_261 : i32
      %lt3A_263 = arith.constant 195 : i32
      %lt3A_264 = arith.cmpi slt, %sub3A_260, %lt3A_263 : i32
      %and3A_265 = arith.andi %ge3A_262, %lt3A_264 : i1
      %convert_element_type3A_266 = arith.extui %and3A_265 : i1 to i32
      %cond3A_267 = arith.constant 0 : i32
      %cond3A_268 = arith.cmpi ne, %convert_element_type3A_266, %cond3A_267 : i32
      scf.if %cond3A_268 {
        %add3A_404 = arith.addi %mul3A_2, %sub3A_260 : i32
        %mul3A_405 = arith.constant 128 : i32
        %mul3A_406 = arith.muli %add3A_404, %mul3A_405 : i32
        %dma_wait3A_407 = arith.constant 0 : i32
        %dma_wait3A_408 = arith.constant 0 : i32
        %dma_wait3A_409 = arith.constant 0 : i32
        %dma_wait3A_410 = arith.constant 0 : i32
        %dma_wait3A_411 = tpu.memref_slice %arg6[%dma_wait3A_407, %dma_wait3A_409, %dma_wait3A_410] : memref<5x128x128xf32, #tpu.memory_space<vmem>> -> memref<1x128x128xf32, #tpu.memory_space<vmem>>
        %dma_wait3A_412 = tpu.memref_squeeze %dma_wait3A_411 : memref<1x128x128xf32, #tpu.memory_space<vmem>> -> memref<128x128xf32, #tpu.memory_space<vmem>>
        %dma_wait3A_413 = arith.constant 0 : i32
        %dma_wait3A_414 = tpu.memref_slice %arg4[%mul3A_406, %dma_wait3A_413] : memref<819200x128xf32, #tpu.memory_space<hbm>> -> memref<128x128xf32, #tpu.memory_space<hbm>>
        %dma_wait3A_415 = tpu.memref_slice %arg8[%dma_wait3A_408] : memref<5x!tpu.dma_semaphore, #tpu.memory_space<semaphore_mem>> -> memref<1x!tpu.dma_semaphore, #tpu.memory_space<semaphore_mem>>
        %dma_wait3A_416 = tpu.memref_squeeze %dma_wait3A_415 : memref<1x!tpu.dma_semaphore, #tpu.memory_space<semaphore_mem>> -> memref<!tpu.dma_semaphore, #tpu.memory_space<semaphore_mem>>
        %dma_wait3A_417 = arith.constant 0 : i32
        %dma_wait3A_418 = tpu.memref_slice %arg4[%mul3A_406, %dma_wait3A_417] : memref<819200x128xf32, #tpu.memory_space<hbm>> -> memref<128x128xf32, #tpu.memory_space<hbm>>
        %dma_wait3A_419 = arith.constant 0 : i32
        %dma_wait3A_420 = arith.constant 0 : i32
        %dma_wait3A_421 = tpu.memref_slice %arg6[%dma_wait3A_407, %dma_wait3A_419, %dma_wait3A_420] : memref<5x128x128xf32, #tpu.memory_space<vmem>> -> memref<1x128x128xf32, #tpu.memory_space<vmem>>
        %dma_wait3A_422 = tpu.memref_squeeze %dma_wait3A_421 : memref<1x128x128xf32, #tpu.memory_space<vmem>> -> memref<128x128xf32, #tpu.memory_space<vmem>>
        tpu.wait_dma2 semaphore(%dma_wait3A_416 : memref<!tpu.dma_semaphore, #tpu.memory_space<semaphore_mem>>) src(%dma_wait3A_422 : memref<128x128xf32, #tpu.memory_space<vmem>>) dst(%dma_wait3A_418 : memref<128x128xf32, #tpu.memory_space<hbm>>)
        %add3A_423 = arith.constant 5 : i32
        %add3A_424 = arith.addi %sub3A_260, %add3A_423 : i32
        %dma_start3A_425 = arith.constant 0 : i32
        %dma_start3A_426 = arith.constant 0 : i32
        %dma_start3A_427 = arith.constant 0 : i32
        %dma_start3A_428 = arith.constant 0 : i32
        %dma_start3A_429 = tpu.memref_slice %arg6[%dma_start3A_425, %dma_start3A_427, %dma_start3A_428] : memref<5x128x128xf32, #tpu.memory_space<vmem>> -> memref<1x128x128xf32, #tpu.memory_space<vmem>>
        %dma_start3A_430 = tpu.memref_squeeze %dma_start3A_429 : memref<1x128x128xf32, #tpu.memory_space<vmem>> -> memref<128x128xf32, #tpu.memory_space<vmem>>
        %dma_start3A_431 = arith.constant 0 : i32
        %dma_start3A_432 = tpu.memref_slice %arg5[%add3A_424, %dma_start3A_431] : memref<200x128xi32, #tpu.memory_space<vmem>> -> memref<1x128xi32, #tpu.memory_space<vmem>>
        %dma_start3A_433 = tpu.memref_squeeze %dma_start3A_432 : memref<1x128xi32, #tpu.memory_space<vmem>> -> memref<128xi32, #tpu.memory_space<vmem>>
        %dma_start3A_434 = arith.constant 0 : i32
        %dma_start3A_435 = arith.constant 0 : i32
        %dma_start3A_436 = tpu.memref_slice %arg3[%dma_start3A_434, %dma_start3A_435] : memref<100000x128xf32, #tpu.memory_space<hbm>> -> memref<100000x128xf32, #tpu.memory_space<hbm>>
        %dma_start3A_437 = tpu.memref_slice %arg7[%dma_start3A_426] : memref<5x!tpu.dma_semaphore, #tpu.memory_space<semaphore_mem>> -> memref<1x!tpu.dma_semaphore, #tpu.memory_space<semaphore_mem>>
        %dma_start3A_438 = tpu.memref_squeeze %dma_start3A_437 : memref<1x!tpu.dma_semaphore, #tpu.memory_space<semaphore_mem>> -> memref<!tpu.dma_semaphore, #tpu.memory_space<semaphore_mem>>
        tpu.enqueue_indirect_dma source(%dma_start3A_436 : memref<100000x128xf32, #tpu.memory_space<hbm>>) target(%dma_start3A_430 : memref<128x128xf32, #tpu.memory_space<vmem>>) offsets(%dma_start3A_433 : memref<128xi32, #tpu.memory_space<vmem>>) semaphore(%dma_start3A_438 : memref<!tpu.dma_semaphore, #tpu.memory_space<semaphore_mem>>)
      } else {
      }
      %add3A_269 = arith.constant 2 : i32
      %add3A_270 = arith.addi %add3A_184, %add3A_269 : i32
      %dma_wait3A_271 = arith.constant 2 : i32
      %dma_wait3A_272 = arith.constant 2 : i32
      %dma_wait3A_273 = arith.constant 0 : i32
      %dma_wait3A_274 = arith.constant 0 : i32
      %dma_wait3A_275 = tpu.memref_slice %arg6[%dma_wait3A_271, %dma_wait3A_273, %dma_wait3A_274] : memref<5x128x128xf32, #tpu.memory_space<vmem>> -> memref<1x128x128xf32, #tpu.memory_space<vmem>>
      %dma_wait3A_276 = tpu.memref_squeeze %dma_wait3A_275 : memref<1x128x128xf32, #tpu.memory_space<vmem>> -> memref<128x128xf32, #tpu.memory_space<vmem>>
      %dma_wait3A_277 = arith.constant 0 : i32
      %dma_wait3A_278 = tpu.memref_slice %arg5[%add3A_270, %dma_wait3A_277] : memref<200x128xi32, #tpu.memory_space<vmem>> -> memref<1x128xi32, #tpu.memory_space<vmem>>
      %dma_wait3A_279 = tpu.memref_squeeze %dma_wait3A_278 : memref<1x128xi32, #tpu.memory_space<vmem>> -> memref<128xi32, #tpu.memory_space<vmem>>
      %dma_wait3A_280 = arith.constant 0 : i32
      %dma_wait3A_281 = arith.constant 0 : i32
      %dma_wait3A_282 = tpu.memref_slice %arg3[%dma_wait3A_280, %dma_wait3A_281] : memref<100000x128xf32, #tpu.memory_space<hbm>> -> memref<100000x128xf32, #tpu.memory_space<hbm>>
      %dma_wait3A_283 = tpu.memref_slice %arg7[%dma_wait3A_272] : memref<5x!tpu.dma_semaphore, #tpu.memory_space<semaphore_mem>> -> memref<1x!tpu.dma_semaphore, #tpu.memory_space<semaphore_mem>>
      %dma_wait3A_284 = tpu.memref_squeeze %dma_wait3A_283 : memref<1x!tpu.dma_semaphore, #tpu.memory_space<semaphore_mem>> -> memref<!tpu.dma_semaphore, #tpu.memory_space<semaphore_mem>>
      tpu.wait_indirect_dma semaphore(%dma_wait3A_284 : memref<!tpu.dma_semaphore, #tpu.memory_space<semaphore_mem>>) src(%dma_wait3A_282 : memref<100000x128xf32, #tpu.memory_space<hbm>>) dst(%dma_wait3A_276 : memref<128x128xf32, #tpu.memory_space<vmem>>)
      %add3A_285 = arith.addi %mul3A_2, %add3A_270 : i32
      %mul3A_286 = arith.constant 128 : i32
      %mul3A_287 = arith.muli %add3A_285, %mul3A_286 : i32
      %dma_start3A_288 = arith.constant 2 : i32
      %dma_start3A_289 = arith.constant 2 : i32
      %dma_start3A_290 = arith.constant 0 : i32
      %dma_start3A_291 = arith.constant 0 : i32
      %dma_start3A_292 = tpu.memref_slice %arg6[%dma_start3A_288, %dma_start3A_290, %dma_start3A_291] : memref<5x128x128xf32, #tpu.memory_space<vmem>> -> memref<1x128x128xf32, #tpu.memory_space<vmem>>
      %dma_start3A_293 = tpu.memref_squeeze %dma_start3A_292 : memref<1x128x128xf32, #tpu.memory_space<vmem>> -> memref<128x128xf32, #tpu.memory_space<vmem>>
      %dma_start3A_294 = arith.constant 0 : i32
      %dma_start3A_295 = tpu.memref_slice %arg4[%mul3A_287, %dma_start3A_294] : memref<819200x128xf32, #tpu.memory_space<hbm>> -> memref<128x128xf32, #tpu.memory_space<hbm>>
      %dma_start3A_296 = tpu.memref_slice %arg8[%dma_start3A_289] : memref<5x!tpu.dma_semaphore, #tpu.memory_space<semaphore_mem>> -> memref<1x!tpu.dma_semaphore, #tpu.memory_space<semaphore_mem>>
      %dma_start3A_297 = tpu.memref_squeeze %dma_start3A_296 : memref<1x!tpu.dma_semaphore, #tpu.memory_space<semaphore_mem>> -> memref<!tpu.dma_semaphore, #tpu.memory_space<semaphore_mem>>
      %dma_start3A_298 = arith.constant 0 : i32
      %dma_start3A_299 = tpu.memref_slice %arg4[%mul3A_287, %dma_start3A_298] : memref<819200x128xf32, #tpu.memory_space<hbm>> -> memref<128x128xf32, #tpu.memory_space<hbm>>
      %dma_start3A_300 = arith.constant 0 : i32
      %dma_start3A_301 = arith.constant 0 : i32
      %dma_start3A_302 = tpu.memref_slice %arg6[%dma_start3A_288, %dma_start3A_300, %dma_start3A_301] : memref<5x128x128xf32, #tpu.memory_space<vmem>> -> memref<1x128x128xf32, #tpu.memory_space<vmem>>
      %dma_start3A_303 = tpu.memref_squeeze %dma_start3A_302 : memref<1x128x128xf32, #tpu.memory_space<vmem>> -> memref<128x128xf32, #tpu.memory_space<vmem>>
      tpu.enqueue_dma source(%dma_start3A_303 : memref<128x128xf32, #tpu.memory_space<vmem>>) target(%dma_start3A_299 : memref<128x128xf32, #tpu.memory_space<hbm>>) target_semaphore(%dma_start3A_297 : memref<!tpu.dma_semaphore, #tpu.memory_space<semaphore_mem>>)
      %sub3A_304 = arith.constant 1 : i32
      %sub3A_305 = arith.subi %add3A_270, %sub3A_304 : i32
      %ge3A_306 = arith.constant 0 : i32
      %ge3A_307 = arith.cmpi sge, %sub3A_305, %ge3A_306 : i32
      %lt3A_308 = arith.constant 195 : i32
      %lt3A_309 = arith.cmpi slt, %sub3A_305, %lt3A_308 : i32
      %and3A_310 = arith.andi %ge3A_307, %lt3A_309 : i1
      %convert_element_type3A_311 = arith.extui %and3A_310 : i1 to i32
      %cond3A_312 = arith.constant 0 : i32
      %cond3A_313 = arith.cmpi ne, %convert_element_type3A_311, %cond3A_312 : i32
      scf.if %cond3A_313 {
        %add3A_404 = arith.addi %mul3A_2, %sub3A_305 : i32
        %mul3A_405 = arith.constant 128 : i32
        %mul3A_406 = arith.muli %add3A_404, %mul3A_405 : i32
        %dma_wait3A_407 = arith.constant 1 : i32
        %dma_wait3A_408 = arith.constant 1 : i32
        %dma_wait3A_409 = arith.constant 0 : i32
        %dma_wait3A_410 = arith.constant 0 : i32
        %dma_wait3A_411 = tpu.memref_slice %arg6[%dma_wait3A_407, %dma_wait3A_409, %dma_wait3A_410] : memref<5x128x128xf32, #tpu.memory_space<vmem>> -> memref<1x128x128xf32, #tpu.memory_space<vmem>>
        %dma_wait3A_412 = tpu.memref_squeeze %dma_wait3A_411 : memref<1x128x128xf32, #tpu.memory_space<vmem>> -> memref<128x128xf32, #tpu.memory_space<vmem>>
        %dma_wait3A_413 = arith.constant 0 : i32
        %dma_wait3A_414 = tpu.memref_slice %arg4[%mul3A_406, %dma_wait3A_413] : memref<819200x128xf32, #tpu.memory_space<hbm>> -> memref<128x128xf32, #tpu.memory_space<hbm>>
        %dma_wait3A_415 = tpu.memref_slice %arg8[%dma_wait3A_408] : memref<5x!tpu.dma_semaphore, #tpu.memory_space<semaphore_mem>> -> memref<1x!tpu.dma_semaphore, #tpu.memory_space<semaphore_mem>>
        %dma_wait3A_416 = tpu.memref_squeeze %dma_wait3A_415 : memref<1x!tpu.dma_semaphore, #tpu.memory_space<semaphore_mem>> -> memref<!tpu.dma_semaphore, #tpu.memory_space<semaphore_mem>>
        %dma_wait3A_417 = arith.constant 0 : i32
        %dma_wait3A_418 = tpu.memref_slice %arg4[%mul3A_406, %dma_wait3A_417] : memref<819200x128xf32, #tpu.memory_space<hbm>> -> memref<128x128xf32, #tpu.memory_space<hbm>>
        %dma_wait3A_419 = arith.constant 0 : i32
        %dma_wait3A_420 = arith.constant 0 : i32
        %dma_wait3A_421 = tpu.memref_slice %arg6[%dma_wait3A_407, %dma_wait3A_419, %dma_wait3A_420] : memref<5x128x128xf32, #tpu.memory_space<vmem>> -> memref<1x128x128xf32, #tpu.memory_space<vmem>>
        %dma_wait3A_422 = tpu.memref_squeeze %dma_wait3A_421 : memref<1x128x128xf32, #tpu.memory_space<vmem>> -> memref<128x128xf32, #tpu.memory_space<vmem>>
        tpu.wait_dma2 semaphore(%dma_wait3A_416 : memref<!tpu.dma_semaphore, #tpu.memory_space<semaphore_mem>>) src(%dma_wait3A_422 : memref<128x128xf32, #tpu.memory_space<vmem>>) dst(%dma_wait3A_418 : memref<128x128xf32, #tpu.memory_space<hbm>>)
        %add3A_423 = arith.constant 5 : i32
        %add3A_424 = arith.addi %sub3A_305, %add3A_423 : i32
        %dma_start3A_425 = arith.constant 1 : i32
        %dma_start3A_426 = arith.constant 1 : i32
        %dma_start3A_427 = arith.constant 0 : i32
        %dma_start3A_428 = arith.constant 0 : i32
        %dma_start3A_429 = tpu.memref_slice %arg6[%dma_start3A_425, %dma_start3A_427, %dma_start3A_428] : memref<5x128x128xf32, #tpu.memory_space<vmem>> -> memref<1x128x128xf32, #tpu.memory_space<vmem>>
        %dma_start3A_430 = tpu.memref_squeeze %dma_start3A_429 : memref<1x128x128xf32, #tpu.memory_space<vmem>> -> memref<128x128xf32, #tpu.memory_space<vmem>>
        %dma_start3A_431 = arith.constant 0 : i32
        %dma_start3A_432 = tpu.memref_slice %arg5[%add3A_424, %dma_start3A_431] : memref<200x128xi32, #tpu.memory_space<vmem>> -> memref<1x128xi32, #tpu.memory_space<vmem>>
        %dma_start3A_433 = tpu.memref_squeeze %dma_start3A_432 : memref<1x128xi32, #tpu.memory_space<vmem>> -> memref<128xi32, #tpu.memory_space<vmem>>
        %dma_start3A_434 = arith.constant 0 : i32
        %dma_start3A_435 = arith.constant 0 : i32
        %dma_start3A_436 = tpu.memref_slice %arg3[%dma_start3A_434, %dma_start3A_435] : memref<100000x128xf32, #tpu.memory_space<hbm>> -> memref<100000x128xf32, #tpu.memory_space<hbm>>
        %dma_start3A_437 = tpu.memref_slice %arg7[%dma_start3A_426] : memref<5x!tpu.dma_semaphore, #tpu.memory_space<semaphore_mem>> -> memref<1x!tpu.dma_semaphore, #tpu.memory_space<semaphore_mem>>
        %dma_start3A_438 = tpu.memref_squeeze %dma_start3A_437 : memref<1x!tpu.dma_semaphore, #tpu.memory_space<semaphore_mem>> -> memref<!tpu.dma_semaphore, #tpu.memory_space<semaphore_mem>>
        tpu.enqueue_indirect_dma source(%dma_start3A_436 : memref<100000x128xf32, #tpu.memory_space<hbm>>) target(%dma_start3A_430 : memref<128x128xf32, #tpu.memory_space<vmem>>) offsets(%dma_start3A_433 : memref<128xi32, #tpu.memory_space<vmem>>) semaphore(%dma_start3A_438 : memref<!tpu.dma_semaphore, #tpu.memory_space<semaphore_mem>>)
      } else {
      }
      %add3A_314 = arith.constant 3 : i32
      %add3A_315 = arith.addi %add3A_184, %add3A_314 : i32
      %dma_wait3A_316 = arith.constant 3 : i32
      %dma_wait3A_317 = arith.constant 3 : i32
      %dma_wait3A_318 = arith.constant 0 : i32
      %dma_wait3A_319 = arith.constant 0 : i32
      %dma_wait3A_320 = tpu.memref_slice %arg6[%dma_wait3A_316, %dma_wait3A_318, %dma_wait3A_319] : memref<5x128x128xf32, #tpu.memory_space<vmem>> -> memref<1x128x128xf32, #tpu.memory_space<vmem>>
      %dma_wait3A_321 = tpu.memref_squeeze %dma_wait3A_320 : memref<1x128x128xf32, #tpu.memory_space<vmem>> -> memref<128x128xf32, #tpu.memory_space<vmem>>
      %dma_wait3A_322 = arith.constant 0 : i32
      %dma_wait3A_323 = tpu.memref_slice %arg5[%add3A_315, %dma_wait3A_322] : memref<200x128xi32, #tpu.memory_space<vmem>> -> memref<1x128xi32, #tpu.memory_space<vmem>>
      %dma_wait3A_324 = tpu.memref_squeeze %dma_wait3A_323 : memref<1x128xi32, #tpu.memory_space<vmem>> -> memref<128xi32, #tpu.memory_space<vmem>>
      %dma_wait3A_325 = arith.constant 0 : i32
      %dma_wait3A_326 = arith.constant 0 : i32
      %dma_wait3A_327 = tpu.memref_slice %arg3[%dma_wait3A_325, %dma_wait3A_326] : memref<100000x128xf32, #tpu.memory_space<hbm>> -> memref<100000x128xf32, #tpu.memory_space<hbm>>
      %dma_wait3A_328 = tpu.memref_slice %arg7[%dma_wait3A_317] : memref<5x!tpu.dma_semaphore, #tpu.memory_space<semaphore_mem>> -> memref<1x!tpu.dma_semaphore, #tpu.memory_space<semaphore_mem>>
      %dma_wait3A_329 = tpu.memref_squeeze %dma_wait3A_328 : memref<1x!tpu.dma_semaphore, #tpu.memory_space<semaphore_mem>> -> memref<!tpu.dma_semaphore, #tpu.memory_space<semaphore_mem>>
      tpu.wait_indirect_dma semaphore(%dma_wait3A_329 : memref<!tpu.dma_semaphore, #tpu.memory_space<semaphore_mem>>) src(%dma_wait3A_327 : memref<100000x128xf32, #tpu.memory_space<hbm>>) dst(%dma_wait3A_321 : memref<128x128xf32, #tpu.memory_space<vmem>>)
      %add3A_330 = arith.addi %mul3A_2, %add3A_315 : i32
      %mul3A_331 = arith.constant 128 : i32
      %mul3A_332 = arith.muli %add3A_330, %mul3A_331 : i32
      %dma_start3A_333 = arith.constant 3 : i32
      %dma_start3A_334 = arith.constant 3 : i32
      %dma_start3A_335 = arith.constant 0 : i32
      %dma_start3A_336 = arith.constant 0 : i32
      %dma_start3A_337 = tpu.memref_slice %arg6[%dma_start3A_333, %dma_start3A_335, %dma_start3A_336] : memref<5x128x128xf32, #tpu.memory_space<vmem>> -> memref<1x128x128xf32, #tpu.memory_space<vmem>>
      %dma_start3A_338 = tpu.memref_squeeze %dma_start3A_337 : memref<1x128x128xf32, #tpu.memory_space<vmem>> -> memref<128x128xf32, #tpu.memory_space<vmem>>
      %dma_start3A_339 = arith.constant 0 : i32
      %dma_start3A_340 = tpu.memref_slice %arg4[%mul3A_332, %dma_start3A_339] : memref<819200x128xf32, #tpu.memory_space<hbm>> -> memref<128x128xf32, #tpu.memory_space<hbm>>
      %dma_start3A_341 = tpu.memref_slice %arg8[%dma_start3A_334] : memref<5x!tpu.dma_semaphore, #tpu.memory_space<semaphore_mem>> -> memref<1x!tpu.dma_semaphore, #tpu.memory_space<semaphore_mem>>
      %dma_start3A_342 = tpu.memref_squeeze %dma_start3A_341 : memref<1x!tpu.dma_semaphore, #tpu.memory_space<semaphore_mem>> -> memref<!tpu.dma_semaphore, #tpu.memory_space<semaphore_mem>>
      %dma_start3A_343 = arith.constant 0 : i32
      %dma_start3A_344 = tpu.memref_slice %arg4[%mul3A_332, %dma_start3A_343] : memref<819200x128xf32, #tpu.memory_space<hbm>> -> memref<128x128xf32, #tpu.memory_space<hbm>>
      %dma_start3A_345 = arith.constant 0 : i32
      %dma_start3A_346 = arith.constant 0 : i32
      %dma_start3A_347 = tpu.memref_slice %arg6[%dma_start3A_333, %dma_start3A_345, %dma_start3A_346] : memref<5x128x128xf32, #tpu.memory_space<vmem>> -> memref<1x128x128xf32, #tpu.memory_space<vmem>>
      %dma_start3A_348 = tpu.memref_squeeze %dma_start3A_347 : memref<1x128x128xf32, #tpu.memory_space<vmem>> -> memref<128x128xf32, #tpu.memory_space<vmem>>
      tpu.enqueue_dma source(%dma_start3A_348 : memref<128x128xf32, #tpu.memory_space<vmem>>) target(%dma_start3A_344 : memref<128x128xf32, #tpu.memory_space<hbm>>) target_semaphore(%dma_start3A_342 : memref<!tpu.dma_semaphore, #tpu.memory_space<semaphore_mem>>)
      %sub3A_349 = arith.constant 1 : i32
      %sub3A_350 = arith.subi %add3A_315, %sub3A_349 : i32
      %ge3A_351 = arith.constant 0 : i32
      %ge3A_352 = arith.cmpi sge, %sub3A_350, %ge3A_351 : i32
      %lt3A_353 = arith.constant 195 : i32
      %lt3A_354 = arith.cmpi slt, %sub3A_350, %lt3A_353 : i32
      %and3A_355 = arith.andi %ge3A_352, %lt3A_354 : i1
      %convert_element_type3A_356 = arith.extui %and3A_355 : i1 to i32
      %cond3A_357 = arith.constant 0 : i32
      %cond3A_358 = arith.cmpi ne, %convert_element_type3A_356, %cond3A_357 : i32
      scf.if %cond3A_358 {
        %add3A_404 = arith.addi %mul3A_2, %sub3A_350 : i32
        %mul3A_405 = arith.constant 128 : i32
        %mul3A_406 = arith.muli %add3A_404, %mul3A_405 : i32
        %dma_wait3A_407 = arith.constant 2 : i32
        %dma_wait3A_408 = arith.constant 2 : i32
        %dma_wait3A_409 = arith.constant 0 : i32
        %dma_wait3A_410 = arith.constant 0 : i32
        %dma_wait3A_411 = tpu.memref_slice %arg6[%dma_wait3A_407, %dma_wait3A_409, %dma_wait3A_410] : memref<5x128x128xf32, #tpu.memory_space<vmem>> -> memref<1x128x128xf32, #tpu.memory_space<vmem>>
        %dma_wait3A_412 = tpu.memref_squeeze %dma_wait3A_411 : memref<1x128x128xf32, #tpu.memory_space<vmem>> -> memref<128x128xf32, #tpu.memory_space<vmem>>
        %dma_wait3A_413 = arith.constant 0 : i32
        %dma_wait3A_414 = tpu.memref_slice %arg4[%mul3A_406, %dma_wait3A_413] : memref<819200x128xf32, #tpu.memory_space<hbm>> -> memref<128x128xf32, #tpu.memory_space<hbm>>
        %dma_wait3A_415 = tpu.memref_slice %arg8[%dma_wait3A_408] : memref<5x!tpu.dma_semaphore, #tpu.memory_space<semaphore_mem>> -> memref<1x!tpu.dma_semaphore, #tpu.memory_space<semaphore_mem>>
        %dma_wait3A_416 = tpu.memref_squeeze %dma_wait3A_415 : memref<1x!tpu.dma_semaphore, #tpu.memory_space<semaphore_mem>> -> memref<!tpu.dma_semaphore, #tpu.memory_space<semaphore_mem>>
        %dma_wait3A_417 = arith.constant 0 : i32
        %dma_wait3A_418 = tpu.memref_slice %arg4[%mul3A_406, %dma_wait3A_417] : memref<819200x128xf32, #tpu.memory_space<hbm>> -> memref<128x128xf32, #tpu.memory_space<hbm>>
        %dma_wait3A_419 = arith.constant 0 : i32
        %dma_wait3A_420 = arith.constant 0 : i32
        %dma_wait3A_421 = tpu.memref_slice %arg6[%dma_wait3A_407, %dma_wait3A_419, %dma_wait3A_420] : memref<5x128x128xf32, #tpu.memory_space<vmem>> -> memref<1x128x128xf32, #tpu.memory_space<vmem>>
        %dma_wait3A_422 = tpu.memref_squeeze %dma_wait3A_421 : memref<1x128x128xf32, #tpu.memory_space<vmem>> -> memref<128x128xf32, #tpu.memory_space<vmem>>
        tpu.wait_dma2 semaphore(%dma_wait3A_416 : memref<!tpu.dma_semaphore, #tpu.memory_space<semaphore_mem>>) src(%dma_wait3A_422 : memref<128x128xf32, #tpu.memory_space<vmem>>) dst(%dma_wait3A_418 : memref<128x128xf32, #tpu.memory_space<hbm>>)
        %add3A_423 = arith.constant 5 : i32
        %add3A_424 = arith.addi %sub3A_350, %add3A_423 : i32
        %dma_start3A_425 = arith.constant 2 : i32
        %dma_start3A_426 = arith.constant 2 : i32
        %dma_start3A_427 = arith.constant 0 : i32
        %dma_start3A_428 = arith.constant 0 : i32
        %dma_start3A_429 = tpu.memref_slice %arg6[%dma_start3A_425, %dma_start3A_427, %dma_start3A_428] : memref<5x128x128xf32, #tpu.memory_space<vmem>> -> memref<1x128x128xf32, #tpu.memory_space<vmem>>
        %dma_start3A_430 = tpu.memref_squeeze %dma_start3A_429 : memref<1x128x128xf32, #tpu.memory_space<vmem>> -> memref<128x128xf32, #tpu.memory_space<vmem>>
        %dma_start3A_431 = arith.constant 0 : i32
        %dma_start3A_432 = tpu.memref_slice %arg5[%add3A_424, %dma_start3A_431] : memref<200x128xi32, #tpu.memory_space<vmem>> -> memref<1x128xi32, #tpu.memory_space<vmem>>
        %dma_start3A_433 = tpu.memref_squeeze %dma_start3A_432 : memref<1x128xi32, #tpu.memory_space<vmem>> -> memref<128xi32, #tpu.memory_space<vmem>>
        %dma_start3A_434 = arith.constant 0 : i32
        %dma_start3A_435 = arith.constant 0 : i32
        %dma_start3A_436 = tpu.memref_slice %arg3[%dma_start3A_434, %dma_start3A_435] : memref<100000x128xf32, #tpu.memory_space<hbm>> -> memref<100000x128xf32, #tpu.memory_space<hbm>>
        %dma_start3A_437 = tpu.memref_slice %arg7[%dma_start3A_426] : memref<5x!tpu.dma_semaphore, #tpu.memory_space<semaphore_mem>> -> memref<1x!tpu.dma_semaphore, #tpu.memory_space<semaphore_mem>>
        %dma_start3A_438 = tpu.memref_squeeze %dma_start3A_437 : memref<1x!tpu.dma_semaphore, #tpu.memory_space<semaphore_mem>> -> memref<!tpu.dma_semaphore, #tpu.memory_space<semaphore_mem>>
        tpu.enqueue_indirect_dma source(%dma_start3A_436 : memref<100000x128xf32, #tpu.memory_space<hbm>>) target(%dma_start3A_430 : memref<128x128xf32, #tpu.memory_space<vmem>>) offsets(%dma_start3A_433 : memref<128xi32, #tpu.memory_space<vmem>>) semaphore(%dma_start3A_438 : memref<!tpu.dma_semaphore, #tpu.memory_space<semaphore_mem>>)
      } else {
      }
      %add3A_359 = arith.constant 4 : i32
      %add3A_360 = arith.addi %add3A_184, %add3A_359 : i32
      %dma_wait3A_361 = arith.constant 4 : i32
      %dma_wait3A_362 = arith.constant 4 : i32
      %dma_wait3A_363 = arith.constant 0 : i32
      %dma_wait3A_364 = arith.constant 0 : i32
      %dma_wait3A_365 = tpu.memref_slice %arg6[%dma_wait3A_361, %dma_wait3A_363, %dma_wait3A_364] : memref<5x128x128xf32, #tpu.memory_space<vmem>> -> memref<1x128x128xf32, #tpu.memory_space<vmem>>
      %dma_wait3A_366 = tpu.memref_squeeze %dma_wait3A_365 : memref<1x128x128xf32, #tpu.memory_space<vmem>> -> memref<128x128xf32, #tpu.memory_space<vmem>>
      %dma_wait3A_367 = arith.constant 0 : i32
      %dma_wait3A_368 = tpu.memref_slice %arg5[%add3A_360, %dma_wait3A_367] : memref<200x128xi32, #tpu.memory_space<vmem>> -> memref<1x128xi32, #tpu.memory_space<vmem>>
      %dma_wait3A_369 = tpu.memref_squeeze %dma_wait3A_368 : memref<1x128xi32, #tpu.memory_space<vmem>> -> memref<128xi32, #tpu.memory_space<vmem>>
      %dma_wait3A_370 = arith.constant 0 : i32
      %dma_wait3A_371 = arith.constant 0 : i32
      %dma_wait3A_372 = tpu.memref_slice %arg3[%dma_wait3A_370, %dma_wait3A_371] : memref<100000x128xf32, #tpu.memory_space<hbm>> -> memref<100000x128xf32, #tpu.memory_space<hbm>>
      %dma_wait3A_373 = tpu.memref_slice %arg7[%dma_wait3A_362] : memref<5x!tpu.dma_semaphore, #tpu.memory_space<semaphore_mem>> -> memref<1x!tpu.dma_semaphore, #tpu.memory_space<semaphore_mem>>
      %dma_wait3A_374 = tpu.memref_squeeze %dma_wait3A_373 : memref<1x!tpu.dma_semaphore, #tpu.memory_space<semaphore_mem>> -> memref<!tpu.dma_semaphore, #tpu.memory_space<semaphore_mem>>
      tpu.wait_indirect_dma semaphore(%dma_wait3A_374 : memref<!tpu.dma_semaphore, #tpu.memory_space<semaphore_mem>>) src(%dma_wait3A_372 : memref<100000x128xf32, #tpu.memory_space<hbm>>) dst(%dma_wait3A_366 : memref<128x128xf32, #tpu.memory_space<vmem>>)
      %add3A_375 = arith.addi %mul3A_2, %add3A_360 : i32
      %mul3A_376 = arith.constant 128 : i32
      %mul3A_377 = arith.muli %add3A_375, %mul3A_376 : i32
      %dma_start3A_378 = arith.constant 4 : i32
      %dma_start3A_379 = arith.constant 4 : i32
      %dma_start3A_380 = arith.constant 0 : i32
      %dma_start3A_381 = arith.constant 0 : i32
      %dma_start3A_382 = tpu.memref_slice %arg6[%dma_start3A_378, %dma_start3A_380, %dma_start3A_381] : memref<5x128x128xf32, #tpu.memory_space<vmem>> -> memref<1x128x128xf32, #tpu.memory_space<vmem>>
      %dma_start3A_383 = tpu.memref_squeeze %dma_start3A_382 : memref<1x128x128xf32, #tpu.memory_space<vmem>> -> memref<128x128xf32, #tpu.memory_space<vmem>>
      %dma_start3A_384 = arith.constant 0 : i32
      %dma_start3A_385 = tpu.memref_slice %arg4[%mul3A_377, %dma_start3A_384] : memref<819200x128xf32, #tpu.memory_space<hbm>> -> memref<128x128xf32, #tpu.memory_space<hbm>>
      %dma_start3A_386 = tpu.memref_slice %arg8[%dma_start3A_379] : memref<5x!tpu.dma_semaphore, #tpu.memory_space<semaphore_mem>> -> memref<1x!tpu.dma_semaphore, #tpu.memory_space<semaphore_mem>>
      %dma_start3A_387 = tpu.memref_squeeze %dma_start3A_386 : memref<1x!tpu.dma_semaphore, #tpu.memory_space<semaphore_mem>> -> memref<!tpu.dma_semaphore, #tpu.memory_space<semaphore_mem>>
      %dma_start3A_388 = arith.constant 0 : i32
      %dma_start3A_389 = tpu.memref_slice %arg4[%mul3A_377, %dma_start3A_388] : memref<819200x128xf32, #tpu.memory_space<hbm>> -> memref<128x128xf32, #tpu.memory_space<hbm>>
      %dma_start3A_390 = arith.constant 0 : i32
      %dma_start3A_391 = arith.constant 0 : i32
      %dma_start3A_392 = tpu.memref_slice %arg6[%dma_start3A_378, %dma_start3A_390, %dma_start3A_391] : memref<5x128x128xf32, #tpu.memory_space<vmem>> -> memref<1x128x128xf32, #tpu.memory_space<vmem>>
      %dma_start3A_393 = tpu.memref_squeeze %dma_start3A_392 : memref<1x128x128xf32, #tpu.memory_space<vmem>> -> memref<128x128xf32, #tpu.memory_space<vmem>>
      tpu.enqueue_dma source(%dma_start3A_393 : memref<128x128xf32, #tpu.memory_space<vmem>>) target(%dma_start3A_389 : memref<128x128xf32, #tpu.memory_space<hbm>>) target_semaphore(%dma_start3A_387 : memref<!tpu.dma_semaphore, #tpu.memory_space<semaphore_mem>>)
      %sub3A_394 = arith.constant 1 : i32
      %sub3A_395 = arith.subi %add3A_360, %sub3A_394 : i32
      %ge3A_396 = arith.constant 0 : i32
      %ge3A_397 = arith.cmpi sge, %sub3A_395, %ge3A_396 : i32
      %lt3A_398 = arith.constant 195 : i32
      %lt3A_399 = arith.cmpi slt, %sub3A_395, %lt3A_398 : i32
      %and3A_400 = arith.andi %ge3A_397, %lt3A_399 : i1
      %convert_element_type3A_401 = arith.extui %and3A_400 : i1 to i32
      %cond3A_402 = arith.constant 0 : i32
      %cond3A_403 = arith.cmpi ne, %convert_element_type3A_401, %cond3A_402 : i32
      scf.if %cond3A_403 {
        %add3A_404 = arith.addi %mul3A_2, %sub3A_395 : i32
        %mul3A_405 = arith.constant 128 : i32
        %mul3A_406 = arith.muli %add3A_404, %mul3A_405 : i32
        %dma_wait3A_407 = arith.constant 3 : i32
        %dma_wait3A_408 = arith.constant 3 : i32
        %dma_wait3A_409 = arith.constant 0 : i32
        %dma_wait3A_410 = arith.constant 0 : i32
        %dma_wait3A_411 = tpu.memref_slice %arg6[%dma_wait3A_407, %dma_wait3A_409, %dma_wait3A_410] : memref<5x128x128xf32, #tpu.memory_space<vmem>> -> memref<1x128x128xf32, #tpu.memory_space<vmem>>
        %dma_wait3A_412 = tpu.memref_squeeze %dma_wait3A_411 : memref<1x128x128xf32, #tpu.memory_space<vmem>> -> memref<128x128xf32, #tpu.memory_space<vmem>>
        %dma_wait3A_413 = arith.constant 0 : i32
        %dma_wait3A_414 = tpu.memref_slice %arg4[%mul3A_406, %dma_wait3A_413] : memref<819200x128xf32, #tpu.memory_space<hbm>> -> memref<128x128xf32, #tpu.memory_space<hbm>>
        %dma_wait3A_415 = tpu.memref_slice %arg8[%dma_wait3A_408] : memref<5x!tpu.dma_semaphore, #tpu.memory_space<semaphore_mem>> -> memref<1x!tpu.dma_semaphore, #tpu.memory_space<semaphore_mem>>
        %dma_wait3A_416 = tpu.memref_squeeze %dma_wait3A_415 : memref<1x!tpu.dma_semaphore, #tpu.memory_space<semaphore_mem>> -> memref<!tpu.dma_semaphore, #tpu.memory_space<semaphore_mem>>
        %dma_wait3A_417 = arith.constant 0 : i32
        %dma_wait3A_418 = tpu.memref_slice %arg4[%mul3A_406, %dma_wait3A_417] : memref<819200x128xf32, #tpu.memory_space<hbm>> -> memref<128x128xf32, #tpu.memory_space<hbm>>
        %dma_wait3A_419 = arith.constant 0 : i32
        %dma_wait3A_420 = arith.constant 0 : i32
        %dma_wait3A_421 = tpu.memref_slice %arg6[%dma_wait3A_407, %dma_wait3A_419, %dma_wait3A_420] : memref<5x128x128xf32, #tpu.memory_space<vmem>> -> memref<1x128x128xf32, #tpu.memory_space<vmem>>
        %dma_wait3A_422 = tpu.memref_squeeze %dma_wait3A_421 : memref<1x128x128xf32, #tpu.memory_space<vmem>> -> memref<128x128xf32, #tpu.memory_space<vmem>>
        tpu.wait_dma2 semaphore(%dma_wait3A_416 : memref<!tpu.dma_semaphore, #tpu.memory_space<semaphore_mem>>) src(%dma_wait3A_422 : memref<128x128xf32, #tpu.memory_space<vmem>>) dst(%dma_wait3A_418 : memref<128x128xf32, #tpu.memory_space<hbm>>)
        %add3A_423 = arith.constant 5 : i32
        %add3A_424 = arith.addi %sub3A_395, %add3A_423 : i32
        %dma_start3A_425 = arith.constant 3 : i32
        %dma_start3A_426 = arith.constant 3 : i32
        %dma_start3A_427 = arith.constant 0 : i32
        %dma_start3A_428 = arith.constant 0 : i32
        %dma_start3A_429 = tpu.memref_slice %arg6[%dma_start3A_425, %dma_start3A_427, %dma_start3A_428] : memref<5x128x128xf32, #tpu.memory_space<vmem>> -> memref<1x128x128xf32, #tpu.memory_space<vmem>>
        %dma_start3A_430 = tpu.memref_squeeze %dma_start3A_429 : memref<1x128x128xf32, #tpu.memory_space<vmem>> -> memref<128x128xf32, #tpu.memory_space<vmem>>
        %dma_start3A_431 = arith.constant 0 : i32
        %dma_start3A_432 = tpu.memref_slice %arg5[%add3A_424, %dma_start3A_431] : memref<200x128xi32, #tpu.memory_space<vmem>> -> memref<1x128xi32, #tpu.memory_space<vmem>>
        %dma_start3A_433 = tpu.memref_squeeze %dma_start3A_432 : memref<1x128xi32, #tpu.memory_space<vmem>> -> memref<128xi32, #tpu.memory_space<vmem>>
        %dma_start3A_434 = arith.constant 0 : i32
        %dma_start3A_435 = arith.constant 0 : i32
        %dma_start3A_436 = tpu.memref_slice %arg3[%dma_start3A_434, %dma_start3A_435] : memref<100000x128xf32, #tpu.memory_space<hbm>> -> memref<100000x128xf32, #tpu.memory_space<hbm>>
        %dma_start3A_437 = tpu.memref_slice %arg7[%dma_start3A_426] : memref<5x!tpu.dma_semaphore, #tpu.memory_space<semaphore_mem>> -> memref<1x!tpu.dma_semaphore, #tpu.memory_space<semaphore_mem>>
        %dma_start3A_438 = tpu.memref_squeeze %dma_start3A_437 : memref<1x!tpu.dma_semaphore, #tpu.memory_space<semaphore_mem>> -> memref<!tpu.dma_semaphore, #tpu.memory_space<semaphore_mem>>
        tpu.enqueue_indirect_dma source(%dma_start3A_436 : memref<100000x128xf32, #tpu.memory_space<hbm>>) target(%dma_start3A_430 : memref<128x128xf32, #tpu.memory_space<vmem>>) offsets(%dma_start3A_433 : memref<128xi32, #tpu.memory_space<vmem>>) semaphore(%dma_start3A_438 : memref<!tpu.dma_semaphore, #tpu.memory_space<semaphore_mem>>)
      } else {
      }
    }
    %scan3A_80 = arith.constant 40 : i32
    %add3A_81 = arith.constant 195 : i32
    %add3A_82 = arith.addi %mul3A_2, %add3A_81 : i32
    %mul3A_83 = arith.constant 128 : i32
    %mul3A_84 = arith.muli %add3A_82, %mul3A_83 : i32
    %dma_wait3A = arith.constant 0 : i32
    %dma_wait3A_85 = arith.constant 0 : i32
    %dma_wait3A_86 = arith.constant 0 : i32
    %dma_wait3A_87 = arith.constant 0 : i32
    %dma_wait3A_88 = tpu.memref_slice %arg6[%dma_wait3A, %dma_wait3A_86, %dma_wait3A_87] : memref<5x128x128xf32, #tpu.memory_space<vmem>> -> memref<1x128x128xf32, #tpu.memory_space<vmem>>
    %dma_wait3A_89 = tpu.memref_squeeze %dma_wait3A_88 : memref<1x128x128xf32, #tpu.memory_space<vmem>> -> memref<128x128xf32, #tpu.memory_space<vmem>>
    %dma_wait3A_90 = arith.constant 0 : i32
    %dma_wait3A_91 = tpu.memref_slice %arg4[%mul3A_84, %dma_wait3A_90] : memref<819200x128xf32, #tpu.memory_space<hbm>> -> memref<128x128xf32, #tpu.memory_space<hbm>>
    %dma_wait3A_92 = tpu.memref_slice %arg8[%dma_wait3A_85] : memref<5x!tpu.dma_semaphore, #tpu.memory_space<semaphore_mem>> -> memref<1x!tpu.dma_semaphore, #tpu.memory_space<semaphore_mem>>
    %dma_wait3A_93 = tpu.memref_squeeze %dma_wait3A_92 : memref<1x!tpu.dma_semaphore, #tpu.memory_space<semaphore_mem>> -> memref<!tpu.dma_semaphore, #tpu.memory_space<semaphore_mem>>
    %dma_wait3A_94 = arith.constant 0 : i32
    %dma_wait3A_95 = tpu.memref_slice %arg4[%mul3A_84, %dma_wait3A_94] : memref<819200x128xf32, #tpu.memory_space<hbm>> -> memref<128x128xf32, #tpu.memory_space<hbm>>
    %dma_wait3A_96 = arith.constant 0 : i32
    %dma_wait3A_97 = arith.constant 0 : i32
    %dma_wait3A_98 = tpu.memref_slice %arg6[%dma_wait3A, %dma_wait3A_96, %dma_wait3A_97] : memref<5x128x128xf32, #tpu.memory_space<vmem>> -> memref<1x128x128xf32, #tpu.memory_space<vmem>>
    %dma_wait3A_99 = tpu.memref_squeeze %dma_wait3A_98 : memref<1x128x128xf32, #tpu.memory_space<vmem>> -> memref<128x128xf32, #tpu.memory_space<vmem>>
    tpu.wait_dma2 semaphore(%dma_wait3A_93 : memref<!tpu.dma_semaphore, #tpu.memory_space<semaphore_mem>>) src(%dma_wait3A_99 : memref<128x128xf32, #tpu.memory_space<vmem>>) dst(%dma_wait3A_95 : memref<128x128xf32, #tpu.memory_space<hbm>>)
    %add3A_100 = arith.constant 196 : i32
    %add3A_101 = arith.addi %mul3A_2, %add3A_100 : i32
    %mul3A_102 = arith.constant 128 : i32
    %mul3A_103 = arith.muli %add3A_101, %mul3A_102 : i32
    %dma_wait3A_104 = arith.constant 1 : i32
    %dma_wait3A_105 = arith.constant 1 : i32
    %dma_wait3A_106 = arith.constant 0 : i32
    %dma_wait3A_107 = arith.constant 0 : i32
    %dma_wait3A_108 = tpu.memref_slice %arg6[%dma_wait3A_104, %dma_wait3A_106, %dma_wait3A_107] : memref<5x128x128xf32, #tpu.memory_space<vmem>> -> memref<1x128x128xf32, #tpu.memory_space<vmem>>
    %dma_wait3A_109 = tpu.memref_squeeze %dma_wait3A_108 : memref<1x128x128xf32, #tpu.memory_space<vmem>> -> memref<128x128xf32, #tpu.memory_space<vmem>>
    %dma_wait3A_110 = arith.constant 0 : i32
    %dma_wait3A_111 = tpu.memref_slice %arg4[%mul3A_103, %dma_wait3A_110] : memref<819200x128xf32, #tpu.memory_space<hbm>> -> memref<128x128xf32, #tpu.memory_space<hbm>>
    %dma_wait3A_112 = tpu.memref_slice %arg8[%dma_wait3A_105] : memref<5x!tpu.dma_semaphore, #tpu.memory_space<semaphore_mem>> -> memref<1x!tpu.dma_semaphore, #tpu.memory_space<semaphore_mem>>
    %dma_wait3A_113 = tpu.memref_squeeze %dma_wait3A_112 : memref<1x!tpu.dma_semaphore, #tpu.memory_space<semaphore_mem>> -> memref<!tpu.dma_semaphore, #tpu.memory_space<semaphore_mem>>
    %dma_wait3A_114 = arith.constant 0 : i32
    %dma_wait3A_115 = tpu.memref_slice %arg4[%mul3A_103, %dma_wait3A_114] : memref<819200x128xf32, #tpu.memory_space<hbm>> -> memref<128x128xf32, #tpu.memory_space<hbm>>
    %dma_wait3A_116 = arith.constant 0 : i32
    %dma_wait3A_117 = arith.constant 0 : i32
    %dma_wait3A_118 = tpu.memref_slice %arg6[%dma_wait3A_104, %dma_wait3A_116, %dma_wait3A_117] : memref<5x128x128xf32, #tpu.memory_space<vmem>> -> memref<1x128x128xf32, #tpu.memory_space<vmem>>
    %dma_wait3A_119 = tpu.memref_squeeze %dma_wait3A_118 : memref<1x128x128xf32, #tpu.memory_space<vmem>> -> memref<128x128xf32, #tpu.memory_space<vmem>>
    tpu.wait_dma2 semaphore(%dma_wait3A_113 : memref<!tpu.dma_semaphore, #tpu.memory_space<semaphore_mem>>) src(%dma_wait3A_119 : memref<128x128xf32, #tpu.memory_space<vmem>>) dst(%dma_wait3A_115 : memref<128x128xf32, #tpu.memory_space<hbm>>)
    %add3A_120 = arith.constant 197 : i32
    %add3A_121 = arith.addi %mul3A_2, %add3A_120 : i32
    %mul3A_122 = arith.constant 128 : i32
    %mul3A_123 = arith.muli %add3A_121, %mul3A_122 : i32
    %dma_wait3A_124 = arith.constant 2 : i32
    %dma_wait3A_125 = arith.constant 2 : i32
    %dma_wait3A_126 = arith.constant 0 : i32
    %dma_wait3A_127 = arith.constant 0 : i32
    %dma_wait3A_128 = tpu.memref_slice %arg6[%dma_wait3A_124, %dma_wait3A_126, %dma_wait3A_127] : memref<5x128x128xf32, #tpu.memory_space<vmem>> -> memref<1x128x128xf32, #tpu.memory_space<vmem>>
    %dma_wait3A_129 = tpu.memref_squeeze %dma_wait3A_128 : memref<1x128x128xf32, #tpu.memory_space<vmem>> -> memref<128x128xf32, #tpu.memory_space<vmem>>
    %dma_wait3A_130 = arith.constant 0 : i32
    %dma_wait3A_131 = tpu.memref_slice %arg4[%mul3A_123, %dma_wait3A_130] : memref<819200x128xf32, #tpu.memory_space<hbm>> -> memref<128x128xf32, #tpu.memory_space<hbm>>
    %dma_wait3A_132 = tpu.memref_slice %arg8[%dma_wait3A_125] : memref<5x!tpu.dma_semaphore, #tpu.memory_space<semaphore_mem>> -> memref<1x!tpu.dma_semaphore, #tpu.memory_space<semaphore_mem>>
    %dma_wait3A_133 = tpu.memref_squeeze %dma_wait3A_132 : memref<1x!tpu.dma_semaphore, #tpu.memory_space<semaphore_mem>> -> memref<!tpu.dma_semaphore, #tpu.memory_space<semaphore_mem>>
    %dma_wait3A_134 = arith.constant 0 : i32
    %dma_wait3A_135 = tpu.memref_slice %arg4[%mul3A_123, %dma_wait3A_134] : memref<819200x128xf32, #tpu.memory_space<hbm>> -> memref<128x128xf32, #tpu.memory_space<hbm>>
    %dma_wait3A_136 = arith.constant 0 : i32
    %dma_wait3A_137 = arith.constant 0 : i32
    %dma_wait3A_138 = tpu.memref_slice %arg6[%dma_wait3A_124, %dma_wait3A_136, %dma_wait3A_137] : memref<5x128x128xf32, #tpu.memory_space<vmem>> -> memref<1x128x128xf32, #tpu.memory_space<vmem>>
    %dma_wait3A_139 = tpu.memref_squeeze %dma_wait3A_138 : memref<1x128x128xf32, #tpu.memory_space<vmem>> -> memref<128x128xf32, #tpu.memory_space<vmem>>
    tpu.wait_dma2 semaphore(%dma_wait3A_133 : memref<!tpu.dma_semaphore, #tpu.memory_space<semaphore_mem>>) src(%dma_wait3A_139 : memref<128x128xf32, #tpu.memory_space<vmem>>) dst(%dma_wait3A_135 : memref<128x128xf32, #tpu.memory_space<hbm>>)
    %add3A_140 = arith.constant 198 : i32
    %add3A_141 = arith.addi %mul3A_2, %add3A_140 : i32
    %mul3A_142 = arith.constant 128 : i32
    %mul3A_143 = arith.muli %add3A_141, %mul3A_142 : i32
    %dma_wait3A_144 = arith.constant 3 : i32
    %dma_wait3A_145 = arith.constant 3 : i32
    %dma_wait3A_146 = arith.constant 0 : i32
    %dma_wait3A_147 = arith.constant 0 : i32
    %dma_wait3A_148 = tpu.memref_slice %arg6[%dma_wait3A_144, %dma_wait3A_146, %dma_wait3A_147] : memref<5x128x128xf32, #tpu.memory_space<vmem>> -> memref<1x128x128xf32, #tpu.memory_space<vmem>>
    %dma_wait3A_149 = tpu.memref_squeeze %dma_wait3A_148 : memref<1x128x128xf32, #tpu.memory_space<vmem>> -> memref<128x128xf32, #tpu.memory_space<vmem>>
    %dma_wait3A_150 = arith.constant 0 : i32
    %dma_wait3A_151 = tpu.memref_slice %arg4[%mul3A_143, %dma_wait3A_150] : memref<819200x128xf32, #tpu.memory_space<hbm>> -> memref<128x128xf32, #tpu.memory_space<hbm>>
    %dma_wait3A_152 = tpu.memref_slice %arg8[%dma_wait3A_145] : memref<5x!tpu.dma_semaphore, #tpu.memory_space<semaphore_mem>> -> memref<1x!tpu.dma_semaphore, #tpu.memory_space<semaphore_mem>>
    %dma_wait3A_153 = tpu.memref_squeeze %dma_wait3A_152 : memref<1x!tpu.dma_semaphore, #tpu.memory_space<semaphore_mem>> -> memref<!tpu.dma_semaphore, #tpu.memory_space<semaphore_mem>>
    %dma_wait3A_154 = arith.constant 0 : i32
    %dma_wait3A_155 = tpu.memref_slice %arg4[%mul3A_143, %dma_wait3A_154] : memref<819200x128xf32, #tpu.memory_space<hbm>> -> memref<128x128xf32, #tpu.memory_space<hbm>>
    %dma_wait3A_156 = arith.constant 0 : i32
    %dma_wait3A_157 = arith.constant 0 : i32
    %dma_wait3A_158 = tpu.memref_slice %arg6[%dma_wait3A_144, %dma_wait3A_156, %dma_wait3A_157] : memref<5x128x128xf32, #tpu.memory_space<vmem>> -> memref<1x128x128xf32, #tpu.memory_space<vmem>>
    %dma_wait3A_159 = tpu.memref_squeeze %dma_wait3A_158 : memref<1x128x128xf32, #tpu.memory_space<vmem>> -> memref<128x128xf32, #tpu.memory_space<vmem>>
    tpu.wait_dma2 semaphore(%dma_wait3A_153 : memref<!tpu.dma_semaphore, #tpu.memory_space<semaphore_mem>>) src(%dma_wait3A_159 : memref<128x128xf32, #tpu.memory_space<vmem>>) dst(%dma_wait3A_155 : memref<128x128xf32, #tpu.memory_space<hbm>>)
    %add3A_160 = arith.constant 199 : i32
    %add3A_161 = arith.addi %mul3A_2, %add3A_160 : i32
    %mul3A_162 = arith.constant 128 : i32
    %mul3A_163 = arith.muli %add3A_161, %mul3A_162 : i32
    %dma_wait3A_164 = arith.constant 4 : i32
    %dma_wait3A_165 = arith.constant 4 : i32
    %dma_wait3A_166 = arith.constant 0 : i32
    %dma_wait3A_167 = arith.constant 0 : i32
    %dma_wait3A_168 = tpu.memref_slice %arg6[%dma_wait3A_164, %dma_wait3A_166, %dma_wait3A_167] : memref<5x128x128xf32, #tpu.memory_space<vmem>> -> memref<1x128x128xf32, #tpu.memory_space<vmem>>
    %dma_wait3A_169 = tpu.memref_squeeze %dma_wait3A_168 : memref<1x128x128xf32, #tpu.memory_space<vmem>> -> memref<128x128xf32, #tpu.memory_space<vmem>>
    %dma_wait3A_170 = arith.constant 0 : i32
    %dma_wait3A_171 = tpu.memref_slice %arg4[%mul3A_163, %dma_wait3A_170] : memref<819200x128xf32, #tpu.memory_space<hbm>> -> memref<128x128xf32, #tpu.memory_space<hbm>>
    %dma_wait3A_172 = tpu.memref_slice %arg8[%dma_wait3A_165] : memref<5x!tpu.dma_semaphore, #tpu.memory_space<semaphore_mem>> -> memref<1x!tpu.dma_semaphore, #tpu.memory_space<semaphore_mem>>
    %dma_wait3A_173 = tpu.memref_squeeze %dma_wait3A_172 : memref<1x!tpu.dma_semaphore, #tpu.memory_space<semaphore_mem>> -> memref<!tpu.dma_semaphore, #tpu.memory_space<semaphore_mem>>
    %dma_wait3A_174 = arith.constant 0 : i32
    %dma_wait3A_175 = tpu.memref_slice %arg4[%mul3A_163, %dma_wait3A_174] : memref<819200x128xf32, #tpu.memory_space<hbm>> -> memref<128x128xf32, #tpu.memory_space<hbm>>
    %dma_wait3A_176 = arith.constant 0 : i32
    %dma_wait3A_177 = arith.constant 0 : i32
    %dma_wait3A_178 = tpu.memref_slice %arg6[%dma_wait3A_164, %dma_wait3A_176, %dma_wait3A_177] : memref<5x128x128xf32, #tpu.memory_space<vmem>> -> memref<1x128x128xf32, #tpu.memory_space<vmem>>
    %dma_wait3A_179 = tpu.memref_squeeze %dma_wait3A_178 : memref<1x128x128xf32, #tpu.memory_space<vmem>> -> memref<128x128xf32, #tpu.memory_space<vmem>>
    tpu.wait_dma2 semaphore(%dma_wait3A_173 : memref<!tpu.dma_semaphore, #tpu.memory_space<semaphore_mem>>) src(%dma_wait3A_179 : memref<128x128xf32, #tpu.memory_space<vmem>>) dst(%dma_wait3A_175 : memref<128x128xf32, #tpu.memory_space<hbm>>)
    return
  }
}

</mosaic_0001>

<sc_bundles>
// kernel: kernel.3.cloned.1.call-start
scs
__scs_entry_jumppad:
0x0: {  	(pc) =	sbr.rel $0x88, $3  }
0x1: {  	(tag) =	ssettag $0x0;
	lr =	simm.s32 $0x1  }
0x2: {  	[smem:$0x3F9F] =	sst lr;
	_ =	strace $0xD0000000  }
0x3: {  	_ = 	snop  }
0x4: {  	_ = 	snop  }
0x5: {  	_ = 	snop  }
0x6: {  	_ = 	snop  }
0x7: {  	_ = 	snop  }
__scs_overlays_trampoline_lowered:
0x8: {  	[smem:$0x3FAE] =	sst s0  }
0x9: {  	[smem:$0x3FAF] =	sst s1  }
0xa: {  	[smem:$0x3FB0] =	sst s2  }
0xb: {  	[smem:$0x3FB1] =	sst s3  }
0xc: {  	[smem:$0x3FB2] =	sst s4  }
0xd: {  	[smem:$0x3FB3] =	sst s5  }
0xe: {  	[smem:$0x3FB4] =	sst s6  }
0xf: {  	[smem:$0x3FB5] =	sst s7  }
0x10: {  	[smem:$0x3FB6] =	sst s8  }
0x11: {  	[smem:$0x3FB7] =	sst s9;
	s0 =	simm.s32 @!p0 $0x0  }
0x12: {  	s1 =	sld [smem:$0x3F9D];
	s0 =	simm.s32 @p0 $0x1  }
0x13: {  	[smem:$0x3FB8] =	sst s0;
	s0 =	simm.s32 @!p1 $0x0  }
0x14: {  	s2 =	sld [smem:$0x3F9C];
	s0 =	simm.s32 @p1 $0x1  }
0x15: {  	[smem:$0x3FB9] =	sst s0;
	s0 =	simm.s32 @!p2 $0x0  }
0x16: {  	s3 =	sld [smem:$0x3FDB];
	s0 =	simm.s32 @p2 $0x1  }
0x17: {  	s4 =	simm.s32 $0x1BF5;
	[smem:$0x3FBB] =	sst s0  }
0x18: {  	s0 =	sld [smem:$0x3F9E];
	_ =	swait.ge [sflag:s4], $0x0  }
0x19: {  	s7 =	sld [smem:$0x3F9F]  }
0x1a: {  	s8 =	sadd.s32 $0xFFFFE003, lr  }
0x1b: {  	s9 =	sadd.s32 $0xFFFFFEF7, lr;
	s5 =	simm.s32 $0xFFFFFFFF;
	p2 =	slt.u32 s8, $0xFFFFF086  }
0x1c: {  	p1 =	slt.u32 s9, $0xF7A;
	s5 =	simm.s32 @!p2 $0x0  }
0x1d: {  	s5 =	simm.s32 @p1 $0x1;
	p0 =	seq.s32 s7, s2  }
0x1e: {  	s7 =	smul.u32 @!p0 $0xF7A, s2;
	p2 =	seq.s32 @!p0 s5, $0x0  }
0x1f: {  	s9 =	smul.u32 $0xF7A, s1;
	s8 =	simm.s32 @!p0 $0x1BF5;
	p2 =	por !p2, p0  }
0x20: {  	[sflag:s8] =	ssyncset.s32 @!p0 $0xFFFFF086;
	s6 =	sadd.s32 @!p0 s3, s7;
	s7 =	simm.s32 @!p0 $0x108  }
0x21: {  	s3 =	sadd.s32 s3, s9;
	s6 =	sadd.s32 @!p0 $0x88, s6;
	s7 =	simm.s32 @p2 $0x1082  }
0x22: {  	[simem:s7], [sflag:s8] =	dma.local @!p0 [hbm:s6], $0xF7A  }
0x23: {  	s9 =	sor.u32 $0xD0000000, s2;
	s6 =	simm.s32 $0x108;
	_ =	swait.ge @!p0 [sflag:s8], $0x0  }
0x24: {  	s3 =	sadd.s32 $0x88, s3;
	s6 =	simm.s32 @!p1 $0x1082;
	[sflag:s4] =	ssyncset.s32 $0xFFFFF086  }
0x25: {  	[simem:s6], [sflag:s4] =	dma.local [hbm:s3], $0xF7A  }
0x26: {  	[smem:$0x3F9F] =	sst s1;
	(tag) =	ssettag s2;
	_ =	strace s9  }
0x27: {  	s1 =	sld [smem:$0x3FAF]  }
0x28: {  	s2 =	sld [smem:$0x3FB0]  }
0x29: {  	s4 =	sld [smem:$0x3FB2]  }
0x2a: {  	p0 =	seq.s32 s5, $0x0;
	s5 =	sld [smem:$0x3FB3]  }
0x2b: {  	s6 =	sld [smem:$0x3FB4]  }
0x2c: {  	s7 =	sld [smem:$0x3FB5]  }
0x2d: {  	s3 =	simm.s32 $0x108;
	s8 =	sld [smem:$0x3FB6]  }
0x2e: {  	s3 =	simm.s32 @!p0 $0x1082;
	s9 =	sld [smem:$0x3FB7]  }
0x2f: {  	lr =	sadd.s32 s0, s3;
	s0 =	sld [smem:$0x3FAE]  }
0x30: {  	s3 =	sld [smem:$0x3FB1]  }
0x31: {  	[smem:$0x3FBA] =	sst s10  }
0x32: {  	s10 =	sld [smem:$0x3FB8];
	_ =	sdelay $0x3  }
0x33: {  	p0 =	seq.s32 s10, $0x1;
	s10 =	sld [smem:$0x3FBA];
	_ =	sdelay $0x3  }
0x34: {  	[smem:$0x3FBA] =	sst s10  }
0x35: {  	s10 =	sld [smem:$0x3FB9];
	_ =	sdelay $0x3  }
0x36: {  	p1 =	seq.s32 s10, $0x1;
	s10 =	sld [smem:$0x3FBA];
	_ =	sdelay $0x3  }
0x37: {  	[smem:$0x3FBA] =	sst s10  }
0x38: {  	s10 =	sld [smem:$0x3FBB]  }
0x39: {  	_ = 	snop;
	(pc) =	sbr.ind lr, $3  }
0x3a: {  	_ = 	snop  }
0x3b: {  	_ = 	snop  }
0x3c: {  	p2 =	seq.s32 s10, $0x1;
	s10 =	sld [smem:$0x3FBA]  }
0x3d: {  	_ =	shalt  }
0x3e: {  	_ =	shalt  }
0x3f: {  	_ =	shalt  }
0x40: {  	_ =	shalt  }
0x41: {  	_ =	shalt  }
0x42: {  	_ =	shalt  }
0x43: {  	_ =	shalt  }
0x44: {  	_ =	shalt  }
0x45: {  	_ =	shalt  }
0x46: {  	_ =	shalt  }
0x47: {  	_ =	shalt  }
0x48: {  	_ =	shalt  }
0x49: {  	_ =	shalt  }
0x4a: {  	_ =	shalt  }
0x4b: {  	_ =	shalt  }
0x4c: {  	_ =	shalt  }
0x4d: {  	_ =	shalt  }
0x4e: {  	_ =	shalt  }
0x4f: {  	_ =	shalt  }
0x50: {  	_ =	shalt  }
0x51: {  	_ =	shalt  }
0x52: {  	_ =	shalt  }
0x53: {  	_ =	shalt  }
0x54: {  	_ =	shalt  }
0x55: {  	_ =	shalt  }
0x56: {  	_ =	shalt  }
0x57: {  	_ =	shalt  }
0x58: {  	_ =	shalt  }
0x59: {  	_ =	shalt  }
0x5a: {  	_ =	shalt  }
0x5b: {  	_ =	shalt  }
0x5c: {  	_ =	shalt  }
0x5d: {  	_ =	shalt  }
0x5e: {  	_ =	shalt  }
0x5f: {  	_ =	shalt  }
0x60: {  	_ =	shalt  }
0x61: {  	_ =	shalt  }
0x62: {  	_ =	shalt  }
0x63: {  	_ =	shalt  }
0x64: {  	_ =	shalt  }
0x65: {  	_ =	shalt  }
0x66: {  	_ =	shalt  }
0x67: {  	_ =	shalt  }
0x68: {  	_ =	shalt  }
0x69: {  	_ =	shalt  }
0x6a: {  	_ =	shalt  }
0x6b: {  	_ =	shalt  }
0x6c: {  	_ =	shalt  }
0x6d: {  	_ =	shalt  }
0x6e: {  	_ =	shalt  }
0x6f: {  	_ =	shalt  }
0x70: {  	_ =	shalt  }
0x71: {  	_ =	shalt  }
0x72: {  	_ =	shalt  }
0x73: {  	_ =	shalt  }
0x74: {  	_ =	shalt  }
0x75: {  	_ =	shalt  }
0x76: {  	_ =	shalt  }
0x77: {  	_ =	shalt  }
0x78: {  	_ =	shalt  }
0x79: {  	_ =	shalt  }
0x7a: {  	_ =	shalt  }
0x7b: {  	_ =	shalt  }
0x7c: {  	_ =	shalt  }
0x7d: {  	_ =	shalt  }
0x7e: {  	_ =	shalt  }
0x7f: {  	_ =	shalt  }
0x80: {  	_ =	shalt  }
0x81: {  	_ =	shalt  }
0x82: {  	_ =	shalt  }
0x83: {  	_ =	shalt  }
0x84: {  	_ =	shalt  }
0x85: {  	_ =	shalt  }
0x86: {  	_ =	shalt  }
0x87: {  	_ =	shalt  }
.Lfunc_end0:
.L_simem_size_0:
called_computation_lowered:
.L_overlay_start_0:
0x88: {  	s2 =	sld [smem:$0x3FD9]  }
0x89: {  	s3 =	sld [smem:$0x3FFE];
	_ =	sdelay $0x1  }
0x8a: {  	s1 =	srdreg.scid  }
0x8b: {  	s0 =	sand.u32 $0x1, s1  }
0x8c: {  	s17 =	sshll.u32 s0, $0xA;
	s2 =	sadd.s32 s3, s2  }
0x8d: {  	s2 =	sadd.s32 s2, s17  }
0x8e: {  	[smem:$0x3FC6] =	sst s2  }
0x8f: {  	_ = 	snop  }
0x90: {  	s2 =	sld [smem:$0x3FC8]  }
0x91: {  	s18 =	sld [smem:$0x3FD0];
	(tm) =	ssettm $0x1  }
0x92: {  	s4 =	sld [smem:$0x3FFB];
	_ =	sdelay $0x3  }
0x93: {  	_ =	strace s4  }
0x94: {  	s4 =	sld [smem:$0x3FFC];
	_ =	sdelay $0x3  }
0x95: {  	_ =	strace s4  }
0x96: {  	s4 =	sld [smem:$0x3FFD];
	_ =	sdelay $0x3  }
0x97: {  	_ =	strace s4  }
0x98: {  	_ =	strace $0x8FFFFFFF  }
0x99: {  	s19 =	sld [smem:$0x3FDB];
	_ =	sdelay $0x1  }
0x9a: {  	s5 =	simm.s32 $_scs_section_size  }
0x9b: {  	s6 =	simm.s32 $_size__tile_overlayer_lowered;
	s7 =	simm.s32 $_tile_overlayer_lowered  }
0x9c: {  	s22 =	simm.s32 $0x1BFF;
	s21 =	sshll.u32 s7, $0x1;
	s4 =	sadd.s32 s5, s19  }
0x9d: {  	s8 =	simm.s32 $0x0;
	s20 =	sshll.u32 s6, $0x1;
	s6 =	sadd.s32 s21, s4  }
0x9e: {  	[timem:s8], [sflag:s22] =	dma.local [hbm:s6], s20  }
0x9f: {  	_ =	swait.ge [sflag:s22], s20  }
0xa0: {  	s5 =	ssub.s32 $0x0, s20;
	[sflag:s22] =	ssyncset.done $0x0  }
0xa1: {  	[sflag:s22] =	ssyncadd.s32 s5;
	_ =	sdelay $0x1  }
0xa2: {  	s23 =	simm.s32 $0x1B8B  }
0xa3: {  	_ =	swait.ge [sflag:s23], $0x1  }
0xa4: {  	[sflag:s23] =	ssyncset.done $0x0  }
0xa5: {  	s25 =	simm.s32 $0x1B8E;
	s24 =	sld [smem:$0x3FFE];
	[sflag:s23] =	ssyncadd.s32 $0xFFFFFFFF  }
0xa6: {  	s26 =	simm.s32 $execute0_lowered;
	[smem:$0x3FD2] =	sst s25  }
0xa7: {  	s6 =	sshll.u32 s26, $0x1;
	_ =	strace $0x80000046;
	[dreg:$0x1] =	wrdreg $0xFFFFFFFF  }
0xa8: {  	s28 =	simm.s32 $_size_execute0_lowered;
	s4 =	sadd.s32 s4, s6;
	[dreg:$0x0] =	wrdreg $0x0  }
0xa9: {  	s6 =	sshll.u32 s28, $0x1;
	[dreg:$0x2] =	wrdreg s4  }
0xaa: {  	[dreg:$0x3] =	wrdreg s6  }
0xab: {  	[dreg:$0x4] =	wrdreg $0xC0  }
0xac: {  	_ =	task [dreg:s8], $0x5FFFF  }
0xad: {  	[dreg:$0x1] =	wrdreg $0xFFFFFFFF  }
0xae: {  	[dreg:$0x0] =	wrdreg $0x60  }
0xaf: {  	[dreg:$0x2] =	wrdreg s24  }
0xb0: {  	[dreg:$0x3] =	wrdreg s2  }
0xb1: {  	[dreg:$0x4] =	wrdreg s18  }
0xb2: {  	[dreg:$0x5] =	wrdreg $0x9  }
0xb3: {  	_ =	task.clear_ibuf [dreg:s8], $0x6FFFF;
	_ =	strace $0x90000046  }
0xb4: {  	s29 =	simm.s32 $0x9;
	_ =	strace $0x80000048  }
0xb5: {  	_ =	swait.ge [sflag:s29], $0x1  }
0xb6: {  	[sflag:s29] =	ssyncadd.s32 $0xFFFFFFFF  }
0xb7: {  	_ =	strace $0x90000048  }
0xb8: {  	_ =	sfence  }
0xb9: {  	s30 =	sld [smem:$0x0];
	_ =	sdelay $0x2  }
0xba: {  	s31 =	sshll.u32 s1, $0xD;
	s1 =	sshrl.u32 s1, $0x2  }
0xbb: {  	s3 =	sand.u32 $0x4000, s31;
	s1 =	sadd.s32 s1, s30  }
0xbc: {  	s0 =	sor.u32 s3, s0;
	s1 =	sshll.u32 s1, $0x11  }
0xbd: {  	s0 =	sor.u32 s1, s0  }
0xbe: {  	s0 =	sadd.s32 $0x8F2B, s0  }
0xbf: {  	[sflag:s0] =	ssyncadd.remote.s32 $0x1  }
0xc0: {  	_ =	sfence.sel $0xFFFF  }
0xc1: {  	[dreg:$0x0] =	wrdreg $0xFFFFFFFF;
	(pc) =	sbr.abs _section_cstart, $3  }
0xc2: {  	[dreg:$0x1] =	wrdreg $0xFFFFFFFF  }
0xc3: {  	_ =	task.clear_ibuf [dreg:s8], $0x2FFFF;
	_ =	strace $0x9FFFFFFF  }
0xc4: {  	(tm) =	ssettm $0x7FFFFFFF  }
0xc5: {  	_ =	shalt  }
tec
execute0_lowered:
.L_overlay_start_1:
0x0: {  	(tag) =	ssettag $0x1  }
0x1: {  	s0 =	srdreg.scid;
	s3 =	rddreg [dreg:$0x0]  }
0x2: {  	s9 =	stileid.u32;
	s2 =	rddreg [dreg:$0x1];
	s10 =	simm.s32 $0x80  }
0x3: {  	s11 =	simm.s32 $0x6400;
	s12 =	simm.s32 $0xA400;
	s14 =	simm.s32 $0xE400  }
0x4: {  	s16 =	simm.s32 $0x12400;
	s18 =	simm.s32 $0x16400;
	s19 =	simm.s32 $0x1  }
0x5: {  	s20 =	simm.s32 $0x2;
	s21 =	simm.s32 $0x3;
	s22 =	simm.s32 $0x4  }
0x6: {  	s23 =	simm.s32 $0x5;
	s24 =	simm.s32 $0x6;
	s6 =	smul.u32 $0x190, s9  }
0x7: {  	s0 =	sand.u32 $0x1, s0;
	s1 =	sshll.u32 s9, $0x1;
	s9 =	smul.u32 $0xC8000, s9  }
0x8: {  	s28 =	simm.s32 $0x9;
	s29 =	simm.s32 $0xA;
	s7 =	smul.u32 $0xC8, s0  }
0x9: {  	s4 =	sor.u32 s0, s1;
	s8 =	ssub.s32 $0x2, s0;
	s0 =	smul.u32 $0x64000, s0  }
0xa: {  	s30 =	simm.s32 $0x0;
	s5 =	smul.u32 $0xC80, s4;
	s4 =	simm.s32 $0x0  }
.Ltmp0:
0xb: {  	s25 =	sshrl.u32 s8, $0x1;
	[smem:$0x7FF] =	sst s4;
	(pc) =	sbr.rel .LBB2_1-.Ltmp0, $4  }
0xc: {  	s8 =	ssub.s32 s8, s25;
	s31 =	sadd.s32 s7, s6;
	s25 =	simm.s32 $0x7  }
0xd: {  	_ =	strace $0x80000047;
	s3 =	sadd.s32 s5, s3;
	s6 =	smax.u32 s8, $0x1  }
0xe: {  	s7 =	sshll.u32 s31, $0xB;
	s8 =	sadd.s32 s0, s9;
	s26 =	sadd.s32 $0x400, s3  }
0xf: {  	s9 =	simm.s32 $0xB;
	[dreg:$0x4] =	wrdreg s26;
	s26 =	simm.s32 $0x8  }
.LBB2_4:
0x10: {  	_ =	swait.ge [sflag:s24], $0x4000  }
0x11: {  	[sflag:s24] =	ssyncset.done $0x0  }
0x12: {  	[sflag:s24] =	ssyncadd.s32 $0xFFFFC000  }
0x13: {  	_ =	swait.ge [sflag:s25], $0x4000  }
0x14: {  	[sflag:s25] =	ssyncset.done $0x0  }
0x15: {  	[sflag:s25] =	ssyncadd.s32 $0xFFFFC000  }
0x16: {  	_ =	swait.ge [sflag:s26], $0x4000  }
0x17: {  	[sflag:s26] =	ssyncset.done $0x0  }
0x18: {  	s30 =	sadd.s32 $0x1, s30;
	[sflag:s26] =	ssyncadd.s32 $0xFFFFC000  }
0x19: {  	p0 =	sne.s32 s30, s6;
	_ =	swait.ge [sflag:s28], $0x4000  }
.Ltmp1:
0x1a: {  	[sflag:s28] =	ssyncset.done $0x0;
	(pc) =	sbr.rel @!p0 .LBB2_5-.Ltmp1, $4  }
0x1b: {  	[sflag:s28] =	ssyncadd.s32 $0xFFFFC000  }
0x1c: {  	_ =	swait.ge [sflag:s29], $0x4000  }
0x1d: {  	[sflag:s29] =	ssyncset.done $0x0  }
0x1e: {  	[sflag:s29] =	ssyncadd.s32 $0xFFFFC000  }
.LBB2_1:
0x1f: {  	s0 =	rddreg [dreg:$0x4]  }
0x20: {  	[tilespmem:s4], [sflag:$0xB] =	stream.linear.gather [hbm4b:s0+s4], $0x6400, $0x38;
	[tilespmem:$0x1A400] =	vst v63  }
0x21: {  	_ =	swait.ge [sflag:s9], $0x6400  }
0x22: {  	[sflag:s9] =	ssyncset.done $0x0  }
0x23: {  	[sflag:s9] =	ssyncadd.s32 $0xFFFF9C00  }
0x24: {  	[tilespmem:s11], [sflag:$0x1] =	stream.indirect.gather [hbm4b:s2+s10], $0x80, s4, s10, $0xb8;
	[tilespmem:$0x1A400] =	vst v63  }
0x25: {  	_ = 	snop  }
0x26: {  	[tilespmem:s12], [sflag:$0x2] =	stream.indirect.gather [hbm4b:s2+s10], $0x80, s10, s10, $0xb8;
	[tilespmem:$0x1A400] =	vst v63  }
0x27: {  	s13 =	simm.s32 $0x100  }
0x28: {  	[tilespmem:s14], [sflag:$0x3] =	stream.indirect.gather [hbm4b:s2+s10], $0x80, s13, s10, $0xb8;
	[tilespmem:$0x1A400] =	vst v63  }
0x29: {  	s15 =	simm.s32 $0x180;
	s17 =	simm.s32 $0x200  }
0x2a: {  	[tilespmem:s16], [sflag:$0x4] =	stream.indirect.gather [hbm4b:s2+s10], $0x80, s15, s10, $0xb8;
	[tilespmem:$0x1A400] =	vst v63  }
0x2b: {  	s31 =	simm.s32 $0xFFFFFFFF;
	s0 =	simm.s32 $0x0;
	s3 =	rddreg [dreg:$0x2]  }
0x2c: {  	[tilespmem:s18], [sflag:$0x5] =	stream.indirect.gather [hbm4b:s2+s10], $0x80, s17, s10, $0xb8;
	[tilespmem:$0x1A400] =	vst v63  }
.LBB2_2:
0x2d: {  	_ =	swait.ge [sflag:s19], $0x4000  }
0x2e: {  	[sflag:s19] =	ssyncset.done $0x0  }
0x2f: {  	s1 =	sadd.s32 s3, s8;
	p0 =	sgt.u32 s31, $0xC2;
	[sflag:s19] =	ssyncadd.s32 $0xFFFFC000  }
0x30: {  	[hbm4b:s1+s4] =	stream.linear.scatter [tilespmem:s11], [sflag:$0x6], $0x4000, $0x38;
	[tilespmem:$0x1A400] =	vst v63  }
0x31: {  	s1 =	simm.s32 @!p0 $0xA  }
0x32: {  	_ =	swait.ge @!p0 [sflag:s1], $0x4000  }
0x33: {  	[sflag:s1] =	ssyncset.done @!p0 $0x0  }
0x34: {  	[sflag:s1] =	ssyncadd.s32 @!p0 $0xFFFFC000;
	s1 =	sshra.s32 @!p0 s0, $0x2  }
0x35: {  	s13 =	simm.s32 @!p0 $0x80;
	s15 =	simm.s32 @!p0 $0x16400;
	s1 =	sadd.s32 @!p0 $0x200, s1  }
0x36: {  	[tilespmem:s15], [sflag:$0x5] =	stream.indirect.gather @!p0 [hbm4b:s2+s13], $0x80, s1, s13, $0xb8;
	[tilespmem:$0x1A400] =	vst v63  }
0x37: {  	_ =	swait.ge [sflag:s20], $0x4000  }
0x38: {  	s1 =	sadd.s32 s3, s7;
	p0 =	seq.s32 s0, $0x18600;
	[sflag:s20] =	ssyncset.done $0x0  }
0x39: {  	s5 =	sadd.s32 $0x800, s1;
	s13 =	simm.s32 @!p0 $0x6;
	[sflag:s20] =	ssyncadd.s32 $0xFFFFC000  }
0x3a: {  	[hbm4b:s5+s4] =	stream.linear.scatter [tilespmem:s12], [sflag:$0x7], $0x4000, $0x38;
	[tilespmem:$0x1A400] =	vst v63  }
0x3b: {  	_ =	swait.ge @!p0 [sflag:s13], $0x4000  }
0x3c: {  	[sflag:s13] =	ssyncset.done @!p0 $0x0  }
0x3d: {  	[sflag:s13] =	ssyncadd.s32 @!p0 $0xFFFFC000;
	s13 =	sshra.s32 @!p0 s0, $0x2  }
0x3e: {  	s17 =	simm.s32 @!p0 $0x80;
	s5 =	simm.s32 @!p0 $0x6400;
	s15 =	sadd.s32 @!p0 $0x280, s13  }
0x3f: {  	[tilespmem:s5], [sflag:$0x1] =	stream.indirect.gather @!p0 [hbm4b:s2+s17], $0x80, s15, s17, $0xb8;
	[tilespmem:$0x1A400] =	vst v63  }
0x40: {  	_ =	swait.ge [sflag:s21], $0x4000  }
0x41: {  	[sflag:s21] =	ssyncset.done $0x0  }
0x42: {  	s15 =	sadd.s32 $0x1000, s1;
	s5 =	simm.s32 @!p0 $0x7;
	[sflag:s21] =	ssyncadd.s32 $0xFFFFC000  }
0x43: {  	[hbm4b:s15+s4] =	stream.linear.scatter [tilespmem:s14], [sflag:$0x8], $0x4000, $0x38;
	[tilespmem:$0x1A400] =	vst v63  }
0x44: {  	_ =	swait.ge @!p0 [sflag:s5], $0x4000  }
0x45: {  	[sflag:s5] =	ssyncset.done @!p0 $0x0  }
0x46: {  	s15 =	simm.s32 @!p0 $0xA400;
	[sflag:s5] =	ssyncadd.s32 @!p0 $0xFFFFC000;
	s5 =	sadd.s32 @!p0 $0x300, s13  }
0x47: {  	[tilespmem:s15], [sflag:$0x2] =	stream.indirect.gather @!p0 [hbm4b:s2+s17], $0x80, s5, s17, $0xb8;
	[tilespmem:$0x1A400] =	vst v63  }
0x48: {  	_ =	swait.ge [sflag:s22], $0x4000  }
0x49: {  	[sflag:s22] =	ssyncset.done $0x0  }
0x4a: {  	s15 =	sadd.s32 $0x1800, s1;
	s5 =	simm.s32 @!p0 $0x8;
	[sflag:s22] =	ssyncadd.s32 $0xFFFFC000  }
0x4b: {  	[hbm4b:s15+s4] =	stream.linear.scatter [tilespmem:s16], [sflag:$0x9], $0x4000, $0x38;
	[tilespmem:$0x1A400] =	vst v63  }
0x4c: {  	_ =	swait.ge @!p0 [sflag:s5], $0x4000  }
0x4d: {  	[sflag:s5] =	ssyncset.done @!p0 $0x0  }
0x4e: {  	[sflag:s5] =	ssyncadd.s32 @!p0 $0xFFFFC000;
	s5 =	sadd.s32 @!p0 $0x380, s13;
	s13 =	simm.s32 @!p0 $0xE400  }
0x4f: {  	[tilespmem:s13], [sflag:$0x3] =	stream.indirect.gather @!p0 [hbm4b:s2+s17], $0x80, s5, s17, $0xb8;
	[tilespmem:$0x1A400] =	vst v63  }
.Ltmp2:
0x50: {  	_ = 	snop;
	(pc) =	sbr.rel @p0 .LBB2_4-.Ltmp2, $4  }
0x51: {  	_ =	swait.ge [sflag:s23], $0x4000  }
0x52: {  	[sflag:s23] =	ssyncset.done $0x0  }
0x53: {  	s1 =	sadd.s32 $0x2000, s1;
	[sflag:s23] =	ssyncadd.s32 $0xFFFFC000  }
0x54: {  	[hbm4b:s1+s4] =	stream.linear.scatter [tilespmem:s18], [sflag:$0xA], $0x4000, $0x38;
	[tilespmem:$0x1A400] =	vst v63  }
.Ltmp3:
0x55: {  	(pc) =	sbr.rel .LBB2_2-.Ltmp3, $4  }
0x56: {  	_ =	swait.ge [sflag:s28], $0x4000;
	s1 =	sshra.s32 s0, $0x2  }
0x57: {  	s0 =	sadd.s32 $0xA00, s0;
	s3 =	sadd.s32 $0x2800, s3;
	[sflag:s28] =	ssyncset.done $0x0  }
0x58: {  	s31 =	sadd.s32 $0x5, s31;
	s1 =	sadd.s32 $0x400, s1;
	[sflag:s28] =	ssyncadd.s32 $0xFFFFC000  }
0x59: {  	[tilespmem:s16], [sflag:$0x4] =	stream.indirect.gather [hbm4b:s2+s10], $0x80, s1, s10, $0xb8;
	[tilespmem:$0x1A400] =	vst v63  }
.LBB2_5:
0x5a: {  	_ =	sfence.sel $0x180000  }
0x5b: {  	[bflag:$0x0] =	sbarrier.arrive $0xFFFF  }
0x5c: {  	_ =	strace $0x90000047  }
0x5d: {  	s0 =	stileid.u32;
	[bflag:$0x2] =	sbarrier.arrive $0xFFFF  }
0x5e: {  	p0 =	sne.s32 s0, $0x0;
	s0 =	rddreg [dreg:$0x3]  }
0x5f: {  	s0 =	sadd.s32 @!p0 $0x100000, s0  }
0x60: {  	[sflag:s0] =	ssyncadd.tile.s32 @!p0 $0x1;
	_ =	shalt  }
.Lfunc_end2:
_tile_overlayer_lowered:
.L_overlay_start_2:
0x61: {  	(tag) =	ssettag $0x2  }
0x62: {  	s0 =	rddreg [dreg:$0x0];
	s2 =	stileid.u32  }
0x63: {  	s1 =	rddreg [dreg:$0x1];
	p0 =	sne.s32 s2, $0x0  }
0x64: {  	s3 =	rddreg [dreg:$0x2];
	[bflag:$0x3] =	sbarrier.arrive $0xFFFF;
	s2 =	simm.s32 @!p0 $0x1C0B  }
0x65: {  	[timem:s3], [sflag:s2] =	dma.local @!p0 [hbm:s0], s1  }
0x66: {  	s0 =	simm.s32 @!p0 $0xB  }
0x67: {  	_ =	swait.ge @!p0 [sflag:s0], s1  }
0x68: {  	s1 =	ssub.s32 @!p0 $0x0, s1;
	[sflag:s0] =	ssyncset.done @!p0 $0x0  }
0x69: {  	[sflag:s0] =	ssyncadd.s32 @!p0 s1  }
0x6a: {  	[bflag:$0x3] =	sbarrier.arrive $0xFFFF  }
0x6b: {  	_ =	shalt  }

</sc_bundles>
